<compile_context>
chip_gen: v7x
topology: tpu7x:2x2x1
jax: 0.10.2.dev20260603
libtpu: 0.0.44.dev20260713+nightly
codegen_flags: <defaults>
</compile_context>

<pallas_src>
import functools

import jax
import jax.numpy as jnp
from jax import lax
from jax.experimental import pallas as pl
from jax.experimental.pallas import tpu as pltpu
from jax.experimental.pallas import tpu_sc as plsc

_L = 4096
_D = 768
_P = 2048
_NRES = 20
_LB = 2048


def _tc_body(x_ref, y_ref, z_ref, w4_ref, wx_ref, o3_ref, o1v_ref):
    xb = x_ref[...]
    h = xb + y_ref[...] + z_ref[...]
    g = jnp.dot(h, w4_ref[...], preferred_element_type=jnp.float32)
    x20 = xb[:, :_NRES]
    gx = jnp.dot(x20, wx_ref[...], preferred_element_type=jnp.float32)

    gt = g.T
    gxt = gx.T
    a1 = gt[0:2, :] + gxt[6:8, :]
    a3 = gt[2:4, :] + gxt[8:10, :]
    twg = gxt[0:4, :]
    tbg = gxt[4:6, :]

    m3 = jnp.max(a3, axis=0, keepdims=True)
    e3 = jnp.exp(a3 - m3)
    o3t = e3 / (e3[0:1, :] + e3[1:2, :])

    l0 = a1[0:1, :] * twg[0:1, :] + a1[1:2, :] * twg[1:2, :] + tbg[0:1, :]
    l1 = a1[0:1, :] * twg[2:3, :] + a1[1:2, :] * twg[3:4, :] + tbg[1:2, :]
    ml = jnp.maximum(l0, l1)
    e0 = jnp.exp(l0 - ml)
    e1 = jnp.exp(l1 - ml)
    tot = e0 + e1
    o1vt = jnp.concatenate([e0 / tot, e1 / tot], axis=0)

    o3_ref[...] = o3t.T
    o1v_ref[...] = o1vt.T


def _tc_dense(xm, ym, zm, w4, wx):
    grid = (_L // _LB,)
    row_spec = pl.BlockSpec((_LB, _D), lambda i: (i, 0))

    def full(a):
        return pl.BlockSpec(a.shape, lambda i: tuple(0 for _ in a.shape))

    out_spec = pl.BlockSpec((_LB, 2), lambda i: (i, 0))
    return pl.pallas_call(
        _tc_body,
        grid=grid,
        in_specs=[row_spec, row_spec, row_spec, full(w4), full(wx)],
        out_specs=[out_spec, out_spec],
        out_shape=[jax.ShapeDtypeStruct((_L, 2), jnp.float32),
                   jax.ShapeDtypeStruct((_L, 2), jnp.float32)],
        compiler_params=pltpu.CompilerParams(
            dimension_semantics=("parallel",)),
    )(xm, ym, zm, w4, wx)


def _sc_body(pu_hbm, v_hbm, out_hbm, pu_v, mark_v, v_v, out_v):
    c = lax.axis_index("c")
    s = lax.axis_index("s")
    zeros16 = jnp.zeros((16,), jnp.int32)
    ones16 = jnp.ones((16,), jnp.int32)
    iota16 = lax.iota(jnp.int32, 16)

    @pl.when(jnp.logical_and(c == 0, s == 0))
    def _():
        pltpu.sync_copy(pu_hbm, pu_v)
        pltpu.sync_copy(v_hbm, v_v)

        @plsc.parallel_loop(0, _L // 16, unroll=16)
        def _zb(i):
            mark_v[pl.ds(i * 16, 16)] = zeros16

        @plsc.parallel_loop(0, _P // 16, unroll=16)
        def _sb(i):
            idx = pu_v[pl.ds(i * 16, 16)]
            plsc.store_scatter(mark_v, [idx], ones16)

        @plsc.parallel_loop(0, _L // 16, unroll=16, carry=zeros16)
        def _cb(i, nmvec):
            mk = mark_v[pl.ds(i * 16, 16)]
            m = mk == 0
            nm = jnp.where(m, 1, 0)
            excl = plsc.cumsum(nm) - nm
            dest2 = (_P + excl) * 2 + nmvec * 2
            j2 = (iota16 + i * 16) * 2
            r0 = plsc.load_gather(v_v, [j2])
            r1 = plsc.load_gather(v_v, [j2 + 1])
            plsc.store_scatter(out_v, [dest2], r0, mask=m)
            plsc.store_scatter(out_v, [dest2 + 1], r1, mask=m)
            return nmvec + plsc.all_reduce_population_count(m)

        pltpu.sync_copy(out_v.at[pl.ds(2 * _P, 2 * (_L - _P))],
                        out_hbm.at[pl.ds(2 * _P, 2 * (_L - _P))])

    @pl.when(jnp.logical_and(c == 0, s == 1))
    def _():
        pltpu.sync_copy(pu_hbm, pu_v)
        pltpu.sync_copy(v_hbm, v_v)

        @plsc.parallel_loop(0, _P // 16, unroll=16)
        def _mb(i):
            idx = pu_v[pl.ds(i * 16, 16)]
            r0 = plsc.load_gather(v_v, [idx * 2])
            r1 = plsc.load_gather(v_v, [idx * 2 + 1])
            base = i * 32
            plsc.store_scatter(out_v, [iota16 * 2 + base], r0)
            plsc.store_scatter(out_v, [iota16 * 2 + 1 + base], r1)

        pltpu.sync_copy(out_v.at[pl.ds(0, 2 * _P)],
                        out_hbm.at[pl.ds(0, 2 * _P)])


@functools.cache
def _sc_permute():
    return pl.kernel(
        _sc_body,
        out_type=jax.ShapeDtypeStruct((2 * _L,), jnp.float32),
        mesh=plsc.VectorSubcoreMesh(core_axis_name="c", subcore_axis_name="s", num_cores=1),
        compiler_params=pltpu.CompilerParams(needs_layout_passes=False),
        scratch_types=[
            pltpu.VMEM((_P,), jnp.int32),
            pltpu.VMEM((_L,), jnp.int32),
            pltpu.VMEM((2 * _L,), jnp.float32),
            pltpu.VMEM((2 * _L,), jnp.float32),
        ],
    )


def kernel(x, y, z, pu_index, Wm, bm, W3, b3, expert_W, expert_b):
    xm = x.reshape(_L, _D)
    ym = y.reshape(_L, _D)
    zm = z.reshape(_L, _D)
    ew2 = expert_W.reshape(_NRES, 4)
    w4 = jnp.concatenate([Wm, W3], axis=1)
    rep = jnp.broadcast_to(jnp.concatenate([bm, b3]).reshape(1, 4),
                           (_NRES, 4))
    wx = jnp.concatenate([ew2, expert_b, rep], axis=1)

    out3, out1v = _tc_dense(xm, ym, zm, w4, wx)
    out2 = _sc_permute()(pu_index.astype(jnp.int32), out1v.reshape(2 * _L))
    return (out3, out1v, out2.reshape(_L, 2))

# --- scband reference (transcript-rebuilt; emitter-appended) ---
"""Pipeline reference for scband-verblizer-model-55456617726412 (READ-ONLY COPY).

The authoritative reference and input builder live on the scoring server;
editing this copy changes nothing except your own understanding.
"""

import jax, jax.numpy as jnp
import numpy as np

L = 4096
D = 768
P = 2048
N_RES = 20


def setup_inputs(seed: int = 0) -> dict:
    key = jax.random.key(seed)
    k1, k2, k3, k4, k5, k6, k7, k8 = jax.random.split(key, 8)
    # x: first 20 channels are a one-hot residue code (as required by recognize_res), rest are features
    x = jax.random.normal(k1, (1, L, D), dtype=jnp.float32)
    res_ids_int = jax.random.randint(k2, (L,), 0, N_RES)
    onehot = jax.nn.one_hot(res_ids_int, N_RES, dtype=jnp.float32)
    x = x.at[0, :, :N_RES].set(onehot)
    y = jax.random.normal(k3, (1, L, D), dtype=jnp.float32)
    z = jax.random.normal(k4, (1, L, D), dtype=jnp.float32)
    # unique pu_index (torch code implicitly assumes unique positive indices)
    pu_index = jax.random.permutation(k5, L)[:P]
    # stand-in for the wrapped inner model: output1 = h @ Wm + bm, output3 = softmax(h @ W3 + b3)
    Wm = jax.random.normal(k6, (D, 2), dtype=jnp.float32) * 0.02
    bm = jnp.zeros((2,), dtype=jnp.float32)
    W3 = jax.random.normal(k7, (D, 2), dtype=jnp.float32) * 0.02
    b3 = jnp.zeros((2,), dtype=jnp.float32)
    # nn.Linear(2,2) shared across all 20 ModuleList slots in torch -> replicate into per-expert stacks
    fc_W = jax.random.normal(k8, (2, 2), dtype=jnp.float32) * 0.5  # [out, in]
    fc_b = jnp.zeros((2,), dtype=jnp.float32)
    expert_W = jnp.tile(fc_W[None], (N_RES, 1, 1))  # [20, 2, 2]
    expert_b = jnp.tile(fc_b[None], (N_RES, 1))     # [20, 2]
    return {"x": x, "y": y, "z": z, "pu_index": pu_index,
            "Wm": Wm, "bm": bm, "W3": W3, "b3": b3,
            "expert_W": expert_W, "expert_b": expert_b}


def reference(x, y, z, pu_index, Wm, bm, W3, b3, expert_W, expert_b):
    # --- inner model self.mode(x, y, z, None) -> (output3, output1, _) ---
    h = x[0] + y[0] + z[0]                      # [L, D]
    output1 = h @ Wm + bm                        # [L, 2]
    output3 = jax.nn.softmax(h @ W3 + b3, -1)    # [L, 2]
    # --- recognize_res: one-hot residue code -> expert index (list.index(1) == argmax of one-hot) ---
    idx = jnp.argmax(x[0, :, :N_RES], axis=-1)   # [L] int
    # --- verblizer_function: per-token expert (nn.Linear(2,2) + Softmax) gathered by residue id ---
    Wg = expert_W[idx]                           # [L, 2, 2] gather
    bg = expert_b[idx]                           # [L, 2] gather
    logits = jnp.einsum('ld,lod->lo', output1, Wg) + bg
    output1v = jax.nn.softmax(logits, axis=-1)   # [L, 2]
    # --- pu_train: positives gathered by pu_index, then the complement, concatenated ---
    x_index = jnp.arange(output1v.shape[0])
    p = output1v[pu_index]                       # gather
    n_mask = ~jnp.isin(x_index, pu_index)
    n_count = output1v.shape[0] - pu_index.shape[0]
    (n_idx,) = jnp.nonzero(n_mask, size=n_count)
    n = output1v[n_idx]
    output2 = jnp.concatenate([p, n], axis=0)    # [L, 2] since pu_index unique
    return (output3, output1v, output2)

if __name__ == "__main__":
    import jax
    _d = setup_inputs()
    print(jax.jit(kernel)(*tuple(_d.values())))

</pallas_src>

<mosaic_0001>
#map = affine_map<(d0, d1) -> (0)>
module attributes {stable_mosaic.version = 14 : i64} {
  func.func @_sc_body(%arg0: i32, %arg1: i32, %arg2: memref<2048xi32, #tpu.memory_space<hbm>>, %arg3: memref<8192xf32, #tpu.memory_space<hbm>>, %arg4: memref<8192xf32, #tpu.memory_space<hbm>>, %arg5: memref<2048xi32, #tpu.memory_space<vmem>>, %arg6: memref<4096xi32, #tpu.memory_space<vmem>>, %arg7: memref<8192xf32, #tpu.memory_space<vmem>>, %arg8: memref<8192xf32, #tpu.memory_space<vmem>>) attributes {dimension_semantics = [#tpu.dimension_semantics<core_parallel>, #tpu.dimension_semantics<subcore_parallel>], iteration_bounds = array<i64: 1, 16>, scalar_prefetch = 0 : i64, scratch_operands = 4 : i64, tpu.core_type = #tpu.core_type<sc_vector_subcore>, window_params = [{transform_indices = #map}, {transform_indices = #map}, {transform_indices = #map}]} {
    %broadcast_in_dim3A = arith.constant 0 : i32
    %broadcast_in_dim3A_0 = vector.broadcast %broadcast_in_dim3A : i32 to vector<16xi32>
    %broadcast_in_dim3A_1 = arith.constant 1 : i32
    %broadcast_in_dim3A_2 = vector.broadcast %broadcast_in_dim3A_1 : i32 to vector<16xi32>
    %iota3A = tpu.iota {dimensions = array<i32: 0>} : vector<16xi32>
    %eq3A = arith.constant 0 : i32
    %eq3A_3 = arith.cmpi eq, %arg0, %eq3A : i32
    %eq3A_4 = arith.constant 0 : i32
    %eq3A_5 = arith.cmpi eq, %arg1, %eq3A_4 : i32
    %and3A = arith.andi %eq3A_3, %eq3A_5 : i1
    %convert_element_type3A = arith.extui %and3A : i1 to i32
    %cond3A = arith.constant 0 : i32
    %cond3A_6 = arith.cmpi ne, %convert_element_type3A, %cond3A : i32
    scf.if %cond3A_6 {
      "tpu.region"() ({
        %run_scoped3A = tpu.sem_alloc : memref<!tpu.dma_semaphore, #tpu.memory_space<semaphore_mem>>
        tpu.enqueue_dma source(%arg2 : memref<2048xi32, #tpu.memory_space<hbm>>) target(%arg5 : memref<2048xi32, #tpu.memory_space<vmem>>) target_semaphore(%run_scoped3A : memref<!tpu.dma_semaphore, #tpu.memory_space<semaphore_mem>>)
        tpu.wait_dma2 semaphore(%run_scoped3A : memref<!tpu.dma_semaphore, #tpu.memory_space<semaphore_mem>>) src(%arg2 : memref<2048xi32, #tpu.memory_space<hbm>>) dst(%arg5 : memref<2048xi32, #tpu.memory_space<vmem>>)
        tpu.yield
      }) : () -> ()
      "tpu.region"() ({
        %run_scoped3A = tpu.sem_alloc : memref<!tpu.dma_semaphore, #tpu.memory_space<semaphore_mem>>
        tpu.enqueue_dma source(%arg3 : memref<8192xf32, #tpu.memory_space<hbm>>) target(%arg7 : memref<8192xf32, #tpu.memory_space<vmem>>) target_semaphore(%run_scoped3A : memref<!tpu.dma_semaphore, #tpu.memory_space<semaphore_mem>>)
        tpu.wait_dma2 semaphore(%run_scoped3A : memref<!tpu.dma_semaphore, #tpu.memory_space<semaphore_mem>>) src(%arg3 : memref<8192xf32, #tpu.memory_space<hbm>>) dst(%arg7 : memref<8192xf32, #tpu.memory_space<vmem>>)
        tpu.yield
      }) : () -> ()
      %parallel_loop3A = arith.constant 0 : i32
      %parallel_loop3A_15 = arith.constant 256 : i32
      %parallel_loop3A_16 = arith.constant 1 : i32
      scf.for %parallel_loop3A_24 = %parallel_loop3A to %parallel_loop3A_15 step %parallel_loop3A_16  : i32 {
        %parallel_loop3A_25 = arith.constant 16 : i32
        %parallel_loop3A_26 = arith.muli %parallel_loop3A_24, %parallel_loop3A_25 : i32
        %parallel_loop3A_27 = arith.index_cast %parallel_loop3A_26 : i32 to index
        %parallel_loop3A_28 = tpu.vector_load %arg6[%parallel_loop3A_27] {strides = array<i32>} : memref<4096xi32, #tpu.memory_space<vmem>>, vector<16xi32>,
        tpu.vector_store %arg6[%parallel_loop3A_27], %broadcast_in_dim3A_0 {strides = array<i32>} : memref<4096xi32, #tpu.memory_space<vmem>>, vector<16xi32>,
      } {sc.loop_unroll_factor = 16 : i64, sc.parallel_access}
      %parallel_loop3A_17 = arith.constant 0 : i32
      %parallel_loop3A_18 = arith.constant 128 : i32
      %parallel_loop3A_19 = arith.constant 1 : i32
      scf.for %parallel_loop3A_24 = %parallel_loop3A_17 to %parallel_loop3A_18 step %parallel_loop3A_19  : i32 {
        %parallel_loop3A_25 = arith.constant 16 : i32
        %parallel_loop3A_26 = arith.muli %parallel_loop3A_24, %parallel_loop3A_25 : i32
        %parallel_loop3A_27 = arith.index_cast %parallel_loop3A_26 : i32 to index
        %parallel_loop3A_28 = tpu.vector_load %arg5[%parallel_loop3A_27] {strides = array<i32>} : memref<2048xi32, #tpu.memory_space<vmem>>, vector<16xi32>,
        tpu.vector_store_idx %arg6[%parallel_loop3A_28], %broadcast_in_dim3A_2 : memref<4096xi32, #tpu.memory_space<vmem>>[vector<16xi32>], vector<16xi32>,
      } {sc.loop_unroll_factor = 16 : i64, sc.parallel_access}
      %parallel_loop3A_20 = arith.constant 0 : i32
      %parallel_loop3A_21 = arith.constant 256 : i32
      %parallel_loop3A_22 = arith.constant 1 : i32
      %parallel_loop3A_23 = scf.for %parallel_loop3A_24 = %parallel_loop3A_20 to %parallel_loop3A_21 step %parallel_loop3A_22 iter_args(%parallel_loop3A_25 = %broadcast_in_dim3A_0) -> (vector<16xi32>)  : i32 {
        %parallel_loop3A_26 = arith.constant 16 : i32
        %parallel_loop3A_27 = arith.muli %parallel_loop3A_24, %parallel_loop3A_26 : i32
        %parallel_loop3A_28 = arith.index_cast %parallel_loop3A_27 : i32 to index
        %parallel_loop3A_29 = tpu.vector_load %arg6[%parallel_loop3A_28] {strides = array<i32>} : memref<4096xi32, #tpu.memory_space<vmem>>, vector<16xi32>,
        %parallel_loop3A_30 = arith.constant 0 : i32
        %parallel_loop3A_31 = vector.broadcast %parallel_loop3A_30 : i32 to vector<16xi32>
        %parallel_loop3A_32 = arith.cmpi eq, %parallel_loop3A_29, %parallel_loop3A_31 : vector<16xi32>
        %parallel_loop3A_33 = arith.constant 1 : i32
        %parallel_loop3A_34 = arith.constant 0 : i32
        %parallel_loop3A_35 = vector.broadcast %parallel_loop3A_33 : i32 to vector<16xi32>
        %parallel_loop3A_36 = vector.broadcast %parallel_loop3A_34 : i32 to vector<16xi32>
        %parallel_loop3A_37 = arith.select %parallel_loop3A_32, %parallel_loop3A_35, %parallel_loop3A_36 : vector<16xi1>, vector<16xi32>
        %parallel_loop3A_38 = arith.constant true
        %parallel_loop3A_39 = vector.broadcast %parallel_loop3A_38 : i1 to vector<16xi1>
        %parallel_loop3A_40 = tpu.scan <sum>, %parallel_loop3A_37 masked %parallel_loop3A_39 : vector<16xi32>, vector<16xi1> -> vector<16xi32>
        %parallel_loop3A_41 = arith.subi %parallel_loop3A_40, %parallel_loop3A_37 : vector<16xi32>
        %parallel_loop3A_42 = arith.constant 2048 : i32
        %parallel_loop3A_43 = vector.broadcast %parallel_loop3A_42 : i32 to vector<16xi32>
        %parallel_loop3A_44 = arith.addi %parallel_loop3A_43, %parallel_loop3A_41 : vector<16xi32>
        %parallel_loop3A_45 = arith.constant 2 : i32
        %parallel_loop3A_46 = vector.broadcast %parallel_loop3A_45 : i32 to vector<16xi32>
        %parallel_loop3A_47 = arith.muli %parallel_loop3A_44, %parallel_loop3A_46 : vector<16xi32>
        %parallel_loop3A_48 = arith.constant 2 : i32
        %parallel_loop3A_49 = vector.broadcast %parallel_loop3A_48 : i32 to vector<16xi32>
        %parallel_loop3A_50 = arith.muli %parallel_loop3A_25, %parallel_loop3A_49 : vector<16xi32>
        %parallel_loop3A_51 = arith.addi %parallel_loop3A_47, %parallel_loop3A_50 : vector<16xi32>
        %parallel_loop3A_52 = arith.constant 16 : i32
        %parallel_loop3A_53 = arith.muli %parallel_loop3A_24, %parallel_loop3A_52 : i32
        %parallel_loop3A_54 = vector.broadcast %parallel_loop3A_53 : i32 to vector<16xi32>
        %parallel_loop3A_55 = arith.addi %iota3A, %parallel_loop3A_54 : vector<16xi32>
        %parallel_loop3A_56 = arith.constant 2 : i32
        %parallel_loop3A_57 = vector.broadcast %parallel_loop3A_56 : i32 to vector<16xi32>
        %parallel_loop3A_58 = arith.muli %parallel_loop3A_55, %parallel_loop3A_57 : vector<16xi32>
        %parallel_loop3A_59 = tpu.vector_load_idx %arg7[%parallel_loop3A_58] : memref<8192xf32, #tpu.memory_space<vmem>>[vector<16xi32>], vector<16xf32>,
        %parallel_loop3A_60 = arith.constant 1 : i32
        %parallel_loop3A_61 = vector.broadcast %parallel_loop3A_60 : i32 to vector<16xi32>
        %parallel_loop3A_62 = arith.addi %parallel_loop3A_58, %parallel_loop3A_61 : vector<16xi32>
        %parallel_loop3A_63 = tpu.vector_load_idx %arg7[%parallel_loop3A_62] : memref<8192xf32, #tpu.memory_space<vmem>>[vector<16xi32>], vector<16xf32>,
        tpu.vector_store_idx %arg8[%parallel_loop3A_51], %parallel_loop3A_59 masked %parallel_loop3A_32 : memref<8192xf32, #tpu.memory_space<vmem>>[vector<16xi32>], vector<16xf32>, vector<16xi1>
        %parallel_loop3A_64 = arith.constant 1 : i32
        %parallel_loop3A_65 = vector.broadcast %parallel_loop3A_64 : i32 to vector<16xi32>
        %parallel_loop3A_66 = arith.addi %parallel_loop3A_51, %parallel_loop3A_65 : vector<16xi32>
        tpu.vector_store_idx %arg8[%parallel_loop3A_66], %parallel_loop3A_63 masked %parallel_loop3A_32 : memref<8192xf32, #tpu.memory_space<vmem>>[vector<16xi32>], vector<16xf32>, vector<16xi1>
        %parallel_loop3A_67 = tpu.all_reduce %parallel_loop3A_32 {dim = 0 : i64, kind = #tpu.reduction_kind<sum>} : vector<16xi1> -> vector<16xi32>
        %parallel_loop3A_68 = arith.addi %parallel_loop3A_25, %parallel_loop3A_67 : vector<16xi32>
        scf.yield %parallel_loop3A_68 : vector<16xi32>
      } {sc.loop_unroll_factor = 16 : i64, sc.parallel_access}
      "tpu.region"() ({
        %run_scoped3A = tpu.sem_alloc : memref<!tpu.dma_semaphore, #tpu.memory_space<semaphore_mem>>
        %dma_start3A = arith.constant 4096 : i32
        %dma_start3A_24 = tpu.memref_slice %arg8[%dma_start3A] : memref<8192xf32, #tpu.memory_space<vmem>> -> memref<4096xf32, #tpu.memory_space<vmem>>
        %dma_start3A_25 = arith.constant 4096 : i32
        %dma_start3A_26 = tpu.memref_slice %arg4[%dma_start3A_25] : memref<8192xf32, #tpu.memory_space<hbm>> -> memref<4096xf32, #tpu.memory_space<hbm>>
        %dma_start3A_27 = arith.constant 4096 : i32
        %dma_start3A_28 = tpu.memref_slice %arg4[%dma_start3A_27] : memref<8192xf32, #tpu.memory_space<hbm>> -> memref<4096xf32, #tpu.memory_space<hbm>>
        %dma_start3A_29 = arith.constant 4096 : i32
        %dma_start3A_30 = tpu.memref_slice %arg8[%dma_start3A_29] : memref<8192xf32, #tpu.memory_space<vmem>> -> memref<4096xf32, #tpu.memory_space<vmem>>
        tpu.enqueue_dma source(%dma_start3A_30 : memref<4096xf32, #tpu.memory_space<vmem>>) target(%dma_start3A_28 : memref<4096xf32, #tpu.memory_space<hbm>>) target_semaphore(%run_scoped3A : memref<!tpu.dma_semaphore, #tpu.memory_space<semaphore_mem>>)
        %dma_wait3A = arith.constant 4096 : i32
        %dma_wait3A_31 = tpu.memref_slice %arg8[%dma_wait3A] : memref<8192xf32, #tpu.memory_space<vmem>> -> memref<4096xf32, #tpu.memory_space<vmem>>
        %dma_wait3A_32 = arith.constant 4096 : i32
        %dma_wait3A_33 = tpu.memref_slice %arg4[%dma_wait3A_32] : memref<8192xf32, #tpu.memory_space<hbm>> -> memref<4096xf32, #tpu.memory_space<hbm>>
        %dma_wait3A_34 = arith.constant 4096 : i32
        %dma_wait3A_35 = tpu.memref_slice %arg4[%dma_wait3A_34] : memref<8192xf32, #tpu.memory_space<hbm>> -> memref<4096xf32, #tpu.memory_space<hbm>>
        %dma_wait3A_36 = arith.constant 4096 : i32
        %dma_wait3A_37 = tpu.memref_slice %arg8[%dma_wait3A_36] : memref<8192xf32, #tpu.memory_space<vmem>> -> memref<4096xf32, #tpu.memory_space<vmem>>
        tpu.wait_dma2 semaphore(%run_scoped3A : memref<!tpu.dma_semaphore, #tpu.memory_space<semaphore_mem>>) src(%dma_wait3A_37 : memref<4096xf32, #tpu.memory_space<vmem>>) dst(%dma_wait3A_35 : memref<4096xf32, #tpu.memory_space<hbm>>)
        tpu.yield
      }) : () -> ()
    } else {
    }
    %eq3A_7 = arith.constant 0 : i32
    %eq3A_8 = arith.cmpi eq, %arg0, %eq3A_7 : i32
    %eq3A_9 = arith.constant 1 : i32
    %eq3A_10 = arith.cmpi eq, %arg1, %eq3A_9 : i32
    %and3A_11 = arith.andi %eq3A_8, %eq3A_10 : i1
    %convert_element_type3A_12 = arith.extui %and3A_11 : i1 to i32
    %cond3A_13 = arith.constant 0 : i32
    %cond3A_14 = arith.cmpi ne, %convert_element_type3A_12, %cond3A_13 : i32
    scf.if %cond3A_14 {
      "tpu.region"() ({
        %run_scoped3A = tpu.sem_alloc : memref<!tpu.dma_semaphore, #tpu.memory_space<semaphore_mem>>
        tpu.enqueue_dma source(%arg2 : memref<2048xi32, #tpu.memory_space<hbm>>) target(%arg5 : memref<2048xi32, #tpu.memory_space<vmem>>) target_semaphore(%run_scoped3A : memref<!tpu.dma_semaphore, #tpu.memory_space<semaphore_mem>>)
        tpu.wait_dma2 semaphore(%run_scoped3A : memref<!tpu.dma_semaphore, #tpu.memory_space<semaphore_mem>>) src(%arg2 : memref<2048xi32, #tpu.memory_space<hbm>>) dst(%arg5 : memref<2048xi32, #tpu.memory_space<vmem>>)
        tpu.yield
      }) : () -> ()
      "tpu.region"() ({
        %run_scoped3A = tpu.sem_alloc : memref<!tpu.dma_semaphore, #tpu.memory_space<semaphore_mem>>
        tpu.enqueue_dma source(%arg3 : memref<8192xf32, #tpu.memory_space<hbm>>) target(%arg7 : memref<8192xf32, #tpu.memory_space<vmem>>) target_semaphore(%run_scoped3A : memref<!tpu.dma_semaphore, #tpu.memory_space<semaphore_mem>>)
        tpu.wait_dma2 semaphore(%run_scoped3A : memref<!tpu.dma_semaphore, #tpu.memory_space<semaphore_mem>>) src(%arg3 : memref<8192xf32, #tpu.memory_space<hbm>>) dst(%arg7 : memref<8192xf32, #tpu.memory_space<vmem>>)
        tpu.yield
      }) : () -> ()
      %parallel_loop3A = arith.constant 0 : i32
      %parallel_loop3A_15 = arith.constant 128 : i32
      %parallel_loop3A_16 = arith.constant 1 : i32
      scf.for %parallel_loop3A_17 = %parallel_loop3A to %parallel_loop3A_15 step %parallel_loop3A_16  : i32 {
        %parallel_loop3A_18 = arith.constant 16 : i32
        %parallel_loop3A_19 = arith.muli %parallel_loop3A_17, %parallel_loop3A_18 : i32
        %parallel_loop3A_20 = arith.index_cast %parallel_loop3A_19 : i32 to index
        %parallel_loop3A_21 = tpu.vector_load %arg5[%parallel_loop3A_20] {strides = array<i32>} : memref<2048xi32, #tpu.memory_space<vmem>>, vector<16xi32>,
        %parallel_loop3A_22 = arith.constant 2 : i32
        %parallel_loop3A_23 = vector.broadcast %parallel_loop3A_22 : i32 to vector<16xi32>
        %parallel_loop3A_24 = arith.muli %parallel_loop3A_21, %parallel_loop3A_23 : vector<16xi32>
        %parallel_loop3A_25 = tpu.vector_load_idx %arg7[%parallel_loop3A_24] : memref<8192xf32, #tpu.memory_space<vmem>>[vector<16xi32>], vector<16xf32>,
        %parallel_loop3A_26 = arith.constant 2 : i32
        %parallel_loop3A_27 = vector.broadcast %parallel_loop3A_26 : i32 to vector<16xi32>
        %parallel_loop3A_28 = arith.muli %parallel_loop3A_21, %parallel_loop3A_27 : vector<16xi32>
        %parallel_loop3A_29 = arith.constant 1 : i32
        %parallel_loop3A_30 = vector.broadcast %parallel_loop3A_29 : i32 to vector<16xi32>
        %parallel_loop3A_31 = arith.addi %parallel_loop3A_28, %parallel_loop3A_30 : vector<16xi32>
        %parallel_loop3A_32 = tpu.vector_load_idx %arg7[%parallel_loop3A_31] : memref<8192xf32, #tpu.memory_space<vmem>>[vector<16xi32>], vector<16xf32>,
        %parallel_loop3A_33 = arith.constant 32 : i32
        %parallel_loop3A_34 = arith.muli %parallel_loop3A_17, %parallel_loop3A_33 : i32
        %parallel_loop3A_35 = arith.constant 2 : i32
        %parallel_loop3A_36 = vector.broadcast %parallel_loop3A_35 : i32 to vector<16xi32>
        %parallel_loop3A_37 = arith.muli %iota3A, %parallel_loop3A_36 : vector<16xi32>
        %parallel_loop3A_38 = vector.broadcast %parallel_loop3A_34 : i32 to vector<16xi32>
        %parallel_loop3A_39 = arith.addi %parallel_loop3A_37, %parallel_loop3A_38 : vector<16xi32>
        tpu.vector_store_idx %arg8[%parallel_loop3A_39], %parallel_loop3A_25 : memref<8192xf32, #tpu.memory_space<vmem>>[vector<16xi32>], vector<16xf32>,
        %parallel_loop3A_40 = arith.constant 2 : i32
        %parallel_loop3A_41 = vector.broadcast %parallel_loop3A_40 : i32 to vector<16xi32>
        %parallel_loop3A_42 = arith.muli %iota3A, %parallel_loop3A_41 : vector<16xi32>
        %parallel_loop3A_43 = arith.constant 1 : i32
        %parallel_loop3A_44 = vector.broadcast %parallel_loop3A_43 : i32 to vector<16xi32>
        %parallel_loop3A_45 = arith.addi %parallel_loop3A_42, %parallel_loop3A_44 : vector<16xi32>
        %parallel_loop3A_46 = vector.broadcast %parallel_loop3A_34 : i32 to vector<16xi32>
        %parallel_loop3A_47 = arith.addi %parallel_loop3A_45, %parallel_loop3A_46 : vector<16xi32>
        tpu.vector_store_idx %arg8[%parallel_loop3A_47], %parallel_loop3A_32 : memref<8192xf32, #tpu.memory_space<vmem>>[vector<16xi32>], vector<16xf32>,
      } {sc.loop_unroll_factor = 16 : i64, sc.parallel_access}
      "tpu.region"() ({
        %run_scoped3A = tpu.sem_alloc : memref<!tpu.dma_semaphore, #tpu.memory_space<semaphore_mem>>
        %dma_start3A = arith.constant 0 : i32
        %dma_start3A_17 = tpu.memref_slice %arg8[%dma_start3A] : memref<8192xf32, #tpu.memory_space<vmem>> -> memref<4096xf32, #tpu.memory_space<vmem>>
        %dma_start3A_18 = arith.constant 0 : i32
        %dma_start3A_19 = tpu.memref_slice %arg4[%dma_start3A_18] : memref<8192xf32, #tpu.memory_space<hbm>> -> memref<4096xf32, #tpu.memory_space<hbm>>
        %dma_start3A_20 = arith.constant 0 : i32
        %dma_start3A_21 = tpu.memref_slice %arg4[%dma_start3A_20] : memref<8192xf32, #tpu.memory_space<hbm>> -> memref<4096xf32, #tpu.memory_space<hbm>>
        %dma_start3A_22 = arith.constant 0 : i32
        %dma_start3A_23 = tpu.memref_slice %arg8[%dma_start3A_22] : memref<8192xf32, #tpu.memory_space<vmem>> -> memref<4096xf32, #tpu.memory_space<vmem>>
        tpu.enqueue_dma source(%dma_start3A_23 : memref<4096xf32, #tpu.memory_space<vmem>>) target(%dma_start3A_21 : memref<4096xf32, #tpu.memory_space<hbm>>) target_semaphore(%run_scoped3A : memref<!tpu.dma_semaphore, #tpu.memory_space<semaphore_mem>>)
        %dma_wait3A = arith.constant 0 : i32
        %dma_wait3A_24 = tpu.memref_slice %arg8[%dma_wait3A] : memref<8192xf32, #tpu.memory_space<vmem>> -> memref<4096xf32, #tpu.memory_space<vmem>>
        %dma_wait3A_25 = arith.constant 0 : i32
        %dma_wait3A_26 = tpu.memref_slice %arg4[%dma_wait3A_25] : memref<8192xf32, #tpu.memory_space<hbm>> -> memref<4096xf32, #tpu.memory_space<hbm>>
        %dma_wait3A_27 = arith.constant 0 : i32
        %dma_wait3A_28 = tpu.memref_slice %arg4[%dma_wait3A_27] : memref<8192xf32, #tpu.memory_space<hbm>> -> memref<4096xf32, #tpu.memory_space<hbm>>
        %dma_wait3A_29 = arith.constant 0 : i32
        %dma_wait3A_30 = tpu.memref_slice %arg8[%dma_wait3A_29] : memref<8192xf32, #tpu.memory_space<vmem>> -> memref<4096xf32, #tpu.memory_space<vmem>>
        tpu.wait_dma2 semaphore(%run_scoped3A : memref<!tpu.dma_semaphore, #tpu.memory_space<semaphore_mem>>) src(%dma_wait3A_30 : memref<4096xf32, #tpu.memory_space<vmem>>) dst(%dma_wait3A_28 : memref<4096xf32, #tpu.memory_space<hbm>>)
        tpu.yield
      }) : () -> ()
    } else {
    }
    return
  }
}

module attributes {stable_mosaic.version = 14 : i64} {
  func.func @_tc_body(%arg0: i32, %arg1: memref<2048x768xf32, #tpu.memory_space<vmem>>, %arg2: memref<2048x768xf32, #tpu.memory_space<vmem>>, %arg3: memref<2048x768xf32, #tpu.memory_space<vmem>>, %arg4: memref<768x4xf32, #tpu.memory_space<vmem>>, %arg5: memref<20x10xf32, #tpu.memory_space<vmem>>, %arg6: memref<2048x2xf32, #tpu.memory_space<vmem>>, %arg7: memref<2048x2xf32, #tpu.memory_space<vmem>>) attributes {dimension_semantics = [#tpu.dimension_semantics<parallel>], iteration_bounds = array<i64: 2>, scalar_prefetch = 0 : i64, scratch_operands = 0 : i64, tpu.core_type = #tpu.core_type<tc>, window_params = [{transform_indices = @transform_0, window_bounds = array<i64: 2048, 768>}, {transform_indices = @transform_1, window_bounds = array<i64: 2048, 768>}, {transform_indices = @transform_2, window_bounds = array<i64: 2048, 768>}, {pipeline_mode = #tpu.pipeline_mode<synchronous>, transform_indices = @transform_3, window_bounds = array<i64: 768, 4>}, {pipeline_mode = #tpu.pipeline_mode<synchronous>, transform_indices = @transform_4, window_bounds = array<i64: 20, 10>}, {transform_indices = @transform_5, window_bounds = array<i64: 2048, 2>}, {transform_indices = @transform_6, window_bounds = array<i64: 2048, 2>}]} {
    %get3A = arith.constant 0 : index
    %get3A_0 = arith.constant 0 : index
    %get3A_1 = vector.load %arg1[%get3A, %get3A_0] : memref<2048x768xf32, #tpu.memory_space<vmem>>, vector<2048x768xf32>
    %get3A_2 = arith.constant 0 : index
    %get3A_3 = arith.constant 0 : index
    %get3A_4 = vector.load %arg2[%get3A_2, %get3A_3] : memref<2048x768xf32, #tpu.memory_space<vmem>>, vector<2048x768xf32>
    %add3A = arith.addf %get3A_1, %get3A_4 : vector<2048x768xf32>
    %get3A_5 = arith.constant 0 : index
    %get3A_6 = arith.constant 0 : index
    %get3A_7 = vector.load %arg3[%get3A_5, %get3A_6] : memref<2048x768xf32, #tpu.memory_space<vmem>>, vector<2048x768xf32>
    %add3A_8 = arith.addf %add3A, %get3A_7 : vector<2048x768xf32>
    %get3A_9 = arith.constant 0 : index
    %get3A_10 = arith.constant 0 : index
    %get3A_11 = vector.load %arg4[%get3A_9, %get3A_10] : memref<768x4xf32, #tpu.memory_space<vmem>>, vector<768x4xf32>
    %dot_general3A = arith.constant dense<0.000000e+00> : vector<2048x4xf32>
    %dot_general3A_12 = tpu.matmul %add3A_8, %get3A_11, %dot_general3A {dimension_numbers = #tpu.dot_dimension_numbers<[1], [0], [0], [1], [0, 0, 1, 1], [], []>, transpose_lhs_hint = false} : vector<2048x768xf32>, vector<768x4xf32>, vector<2048x4xf32> -> vector<2048x4xf32>
    %slice3A = vector.extract_strided_slice %get3A_1 {offsets = [0, 0], sizes = [2048, 20], strides = [1, 1]} : vector<2048x768xf32> to vector<2048x20xf32>
    %get3A_13 = arith.constant 0 : index
    %get3A_14 = arith.constant 0 : index
    %get3A_15 = vector.load %arg5[%get3A_13, %get3A_14] : memref<20x10xf32, #tpu.memory_space<vmem>>, vector<20x10xf32>
    %dot_general3A_16 = arith.constant dense<0.000000e+00> : vector<2048x10xf32>
    %dot_general3A_17 = tpu.matmul %slice3A, %get3A_15, %dot_general3A_16 {dimension_numbers = #tpu.dot_dimension_numbers<[1], [0], [0], [1], [0, 0, 1, 1], [], []>, transpose_lhs_hint = false} : vector<2048x20xf32>, vector<20x10xf32>, vector<2048x10xf32> -> vector<2048x10xf32>
    %transpose3A = tpu.transpose %dot_general3A_12, [1, 0] : vector<2048x4xf32> -> vector<4x2048xf32>
    %transpose3A_18 = tpu.transpose %dot_general3A_17, [1, 0] : vector<2048x10xf32> -> vector<10x2048xf32>
    %slice3A_19 = vector.extract_strided_slice %transpose3A {offsets = [0, 0], sizes = [2, 2048], strides = [1, 1]} : vector<4x2048xf32> to vector<2x2048xf32>
    %slice3A_20 = vector.extract_strided_slice %transpose3A_18 {offsets = [6, 0], sizes = [2, 2048], strides = [1, 1]} : vector<10x2048xf32> to vector<2x2048xf32>
    %add3A_21 = arith.addf %slice3A_19, %slice3A_20 : vector<2x2048xf32>
    %slice3A_22 = vector.extract_strided_slice %transpose3A {offsets = [2, 0], sizes = [2, 2048], strides = [1, 1]} : vector<4x2048xf32> to vector<2x2048xf32>
    %slice3A_23 = vector.extract_strided_slice %transpose3A_18 {offsets = [8, 0], sizes = [2, 2048], strides = [1, 1]} : vector<10x2048xf32> to vector<2x2048xf32>
    %add3A_24 = arith.addf %slice3A_22, %slice3A_23 : vector<2x2048xf32>
    %slice3A_25 = vector.extract_strided_slice %transpose3A_18 {offsets = [0, 0], sizes = [4, 2048], strides = [1, 1]} : vector<10x2048xf32> to vector<4x2048xf32>
    %slice3A_26 = vector.extract_strided_slice %transpose3A_18 {offsets = [4, 0], sizes = [2, 2048], strides = [1, 1]} : vector<10x2048xf32> to vector<2x2048xf32>
    %reduce_max3A = arith.constant dense<0xFF800000> : vector<2048xf32>
    %reduce_max3A_27 = vector.multi_reduction <maximumf>, %add3A_24, %reduce_max3A [0] : vector<2x2048xf32> to vector<2048xf32>
    %broadcast_in_dim3A = vector.shape_cast %reduce_max3A_27 : vector<2048xf32> to vector<1x2048xf32>
    %sub3A = vector.broadcast %broadcast_in_dim3A : vector<1x2048xf32> to vector<2x2048xf32>
    %sub3A_28 = arith.subf %add3A_24, %sub3A : vector<2x2048xf32>
    %exp3A = math.exp %sub3A_28 : vector<2x2048xf32>
    %slice3A_29 = vector.extract_strided_slice %exp3A {offsets = [0, 0], sizes = [1, 2048], strides = [1, 1]} : vector<2x2048xf32> to vector<1x2048xf32>
    %slice3A_30 = vector.extract_strided_slice %exp3A {offsets = [1, 0], sizes = [1, 2048], strides = [1, 1]} : vector<2x2048xf32> to vector<1x2048xf32>
    %add3A_31 = arith.addf %slice3A_29, %slice3A_30 : vector<1x2048xf32>
    %div3A = vector.broadcast %add3A_31 : vector<1x2048xf32> to vector<2x2048xf32>
    %div3A_32 = arith.divf %exp3A, %div3A : vector<2x2048xf32>
    %slice3A_33 = vector.extract_strided_slice %add3A_21 {offsets = [0, 0], sizes = [1, 2048], strides = [1, 1]} : vector<2x2048xf32> to vector<1x2048xf32>
    %slice3A_34 = vector.extract_strided_slice %slice3A_25 {offsets = [0, 0], sizes = [1, 2048], strides = [1, 1]} : vector<4x2048xf32> to vector<1x2048xf32>
    %mul3A = arith.mulf %slice3A_33, %slice3A_34 : vector<1x2048xf32>
    %slice3A_35 = vector.extract_strided_slice %add3A_21 {offsets = [1, 0], sizes = [1, 2048], strides = [1, 1]} : vector<2x2048xf32> to vector<1x2048xf32>
    %slice3A_36 = vector.extract_strided_slice %slice3A_25 {offsets = [1, 0], sizes = [1, 2048], strides = [1, 1]} : vector<4x2048xf32> to vector<1x2048xf32>
    %mul3A_37 = arith.mulf %slice3A_35, %slice3A_36 : vector<1x2048xf32>
    %add3A_38 = arith.addf %mul3A, %mul3A_37 : vector<1x2048xf32>
    %slice3A_39 = vector.extract_strided_slice %slice3A_26 {offsets = [0, 0], sizes = [1, 2048], strides = [1, 1]} : vector<2x2048xf32> to vector<1x2048xf32>
    %add3A_40 = arith.addf %add3A_38, %slice3A_39 : vector<1x2048xf32>
    %slice3A_41 = vector.extract_strided_slice %add3A_21 {offsets = [0, 0], sizes = [1, 2048], strides = [1, 1]} : vector<2x2048xf32> to vector<1x2048xf32>
    %slice3A_42 = vector.extract_strided_slice %slice3A_25 {offsets = [2, 0], sizes = [1, 2048], strides = [1, 1]} : vector<4x2048xf32> to vector<1x2048xf32>
    %mul3A_43 = arith.mulf %slice3A_41, %slice3A_42 : vector<1x2048xf32>
    %slice3A_44 = vector.extract_strided_slice %add3A_21 {offsets = [1, 0], sizes = [1, 2048], strides = [1, 1]} : vector<2x2048xf32> to vector<1x2048xf32>
    %slice3A_45 = vector.extract_strided_slice %slice3A_25 {offsets = [3, 0], sizes = [1, 2048], strides = [1, 1]} : vector<4x2048xf32> to vector<1x2048xf32>
    %mul3A_46 = arith.mulf %slice3A_44, %slice3A_45 : vector<1x2048xf32>
    %add3A_47 = arith.addf %mul3A_43, %mul3A_46 : vector<1x2048xf32>
    %slice3A_48 = vector.extract_strided_slice %slice3A_26 {offsets = [1, 0], sizes = [1, 2048], strides = [1, 1]} : vector<2x2048xf32> to vector<1x2048xf32>
    %add3A_49 = arith.addf %add3A_47, %slice3A_48 : vector<1x2048xf32>
    %max3A = arith.maximumf %add3A_40, %add3A_49 : vector<1x2048xf32>
    %sub3A_50 = arith.subf %add3A_40, %max3A : vector<1x2048xf32>
    %exp3A_51 = math.exp %sub3A_50 : vector<1x2048xf32>
    %sub3A_52 = arith.subf %add3A_49, %max3A : vector<1x2048xf32>
    %exp3A_53 = math.exp %sub3A_52 : vector<1x2048xf32>
    %add3A_54 = arith.addf %exp3A_51, %exp3A_53 : vector<1x2048xf32>
    %div3A_55 = arith.divf %exp3A_51, %add3A_54 : vector<1x2048xf32>
    %div3A_56 = arith.divf %exp3A_53, %add3A_54 : vector<1x2048xf32>
    %concatenate3A = tpu.concatenate %div3A_55, %div3A_56 in 0 : vector<1x2048xf32>, vector<1x2048xf32> -> vector<2x2048xf32>
    %transpose3A_57 = tpu.transpose %div3A_32, [1, 0] : vector<2x2048xf32> -> vector<2048x2xf32>
    %swap3A = arith.constant 0 : index
    %swap3A_58 = arith.constant 0 : index
    %swap3A_59 = vector.load %arg6[%swap3A, %swap3A_58] : memref<2048x2xf32, #tpu.memory_space<vmem>>, vector<2048x2xf32>
    tpu.vector_store %arg6[%swap3A, %swap3A_58], %transpose3A_57 {strides = array<i32>} : memref<2048x2xf32, #tpu.memory_space<vmem>>, vector<2048x2xf32>,
    %transpose3A_60 = tpu.transpose %concatenate3A, [1, 0] : vector<2x2048xf32> -> vector<2048x2xf32>
    %swap3A_61 = arith.constant 0 : index
    %swap3A_62 = arith.constant 0 : index
    %swap3A_63 = vector.load %arg7[%swap3A_61, %swap3A_62] : memref<2048x2xf32, #tpu.memory_space<vmem>>, vector<2048x2xf32>
    tpu.vector_store %arg7[%swap3A_61, %swap3A_62], %transpose3A_60 {strides = array<i32>} : memref<2048x2xf32, #tpu.memory_space<vmem>>, vector<2048x2xf32>,
    return
  }
  func.func @transform_0(%arg0: i32) -> (i32, i32) {
    %c0_i32 = arith.constant 0 : i32
    %c0_i32_0 = arith.constant 0 : i32
    return %arg0, %c0_i32 : i32, i32
  }
  func.func @transform_1(%arg0: i32) -> (i32, i32) {
    %c0_i32 = arith.constant 0 : i32
    %c0_i32_0 = arith.constant 0 : i32
    return %arg0, %c0_i32 : i32, i32
  }
  func.func @transform_2(%arg0: i32) -> (i32, i32) {
    %c0_i32 = arith.constant 0 : i32
    %c0_i32_0 = arith.constant 0 : i32
    return %arg0, %c0_i32 : i32, i32
  }
  func.func @transform_3(%arg0: i32) -> (i32, i32) {
    %c0_i32 = arith.constant 0 : i32
    %c0_i32_0 = arith.constant 0 : i32
    %c0_i32_1 = arith.constant 0 : i32
    return %c0_i32, %c0_i32_0 : i32, i32
  }
  func.func @transform_4(%arg0: i32) -> (i32, i32) {
    %c0_i32 = arith.constant 0 : i32
    %c0_i32_0 = arith.constant 0 : i32
    %c0_i32_1 = arith.constant 0 : i32
    return %c0_i32, %c0_i32_0 : i32, i32
  }
  func.func @transform_5(%arg0: i32) -> (i32, i32) {
    %c0_i32 = arith.constant 0 : i32
    %c0_i32_0 = arith.constant 0 : i32
    return %arg0, %c0_i32 : i32, i32
  }
  func.func @transform_6(%arg0: i32) -> (i32, i32) {
    %c0_i32 = arith.constant 0 : i32
    %c0_i32_0 = arith.constant 0 : i32
    return %arg0, %c0_i32 : i32, i32
  }
}

</mosaic_0001>

<sc_bundles>
// kernel: kernel.4.cloned.1.call-start
scs
__scs_entry_jumppad:
0x0: {  	(pc) =	sbr.rel $0x88, $3  }
0x1: {  	(tag) =	ssettag $0x0;
	lr =	simm.s32 $0x1  }
0x2: {  	[smem:$0x3F97] =	sst lr;
	_ =	strace $0xD0000000  }
0x3: {  	_ = 	snop  }
0x4: {  	_ = 	snop  }
0x5: {  	_ = 	snop  }
0x6: {  	_ = 	snop  }
0x7: {  	_ = 	snop  }
__scs_overlays_trampoline_lowered:
0x8: {  	[smem:$0x3FA6] =	sst s0  }
0x9: {  	[smem:$0x3FA7] =	sst s1  }
0xa: {  	[smem:$0x3FA8] =	sst s2  }
0xb: {  	[smem:$0x3FA9] =	sst s3  }
0xc: {  	[smem:$0x3FAA] =	sst s4  }
0xd: {  	[smem:$0x3FAB] =	sst s5  }
0xe: {  	[smem:$0x3FAC] =	sst s6  }
0xf: {  	[smem:$0x3FAD] =	sst s7  }
0x10: {  	[smem:$0x3FAE] =	sst s8  }
0x11: {  	[smem:$0x3FAF] =	sst s9;
	s0 =	simm.s32 @!p0 $0x0  }
0x12: {  	s1 =	sld [smem:$0x3F95];
	s0 =	simm.s32 @p0 $0x1  }
0x13: {  	[smem:$0x3FB0] =	sst s0;
	s0 =	simm.s32 @!p1 $0x0  }
0x14: {  	s2 =	sld [smem:$0x3F94];
	s0 =	simm.s32 @p1 $0x1  }
0x15: {  	[smem:$0x3FB1] =	sst s0;
	s0 =	simm.s32 @!p2 $0x0  }
0x16: {  	s3 =	sld [smem:$0x3FDB];
	s0 =	simm.s32 @p2 $0x1  }
0x17: {  	s4 =	simm.s32 $0x1BF5;
	[smem:$0x3FB3] =	sst s0  }
0x18: {  	s0 =	sld [smem:$0x3F96];
	_ =	swait.ge [sflag:s4], $0x0  }
0x19: {  	s7 =	sld [smem:$0x3F97]  }
0x1a: {  	s8 =	sadd.s32 $0xFFFFE003, lr  }
0x1b: {  	s9 =	sadd.s32 $0xFFFFFEF7, lr;
	s5 =	simm.s32 $0xFFFFFFFF;
	p2 =	slt.u32 s8, $0xFFFFF086  }
0x1c: {  	p1 =	slt.u32 s9, $0xF7A;
	s5 =	simm.s32 @!p2 $0x0  }
0x1d: {  	s5 =	simm.s32 @p1 $0x1;
	p0 =	seq.s32 s7, s2  }
0x1e: {  	s7 =	smul.u32 @!p0 $0xF7A, s2;
	p2 =	seq.s32 @!p0 s5, $0x0  }
0x1f: {  	s9 =	smul.u32 $0xF7A, s1;
	s8 =	simm.s32 @!p0 $0x1BF5;
	p2 =	por !p2, p0  }
0x20: {  	[sflag:s8] =	ssyncset.s32 @!p0 $0xFFFFF086;
	s6 =	sadd.s32 @!p0 s3, s7;
	s7 =	simm.s32 @!p0 $0x108  }
0x21: {  	s3 =	sadd.s32 s3, s9;
	s6 =	sadd.s32 @!p0 $0x88, s6;
	s7 =	simm.s32 @p2 $0x1082  }
0x22: {  	[simem:s7], [sflag:s8] =	dma.local @!p0 [hbm:s6], $0xF7A  }
0x23: {  	s9 =	sor.u32 $0xD0000000, s2;
	s6 =	simm.s32 $0x108;
	_ =	swait.ge @!p0 [sflag:s8], $0x0  }
0x24: {  	s3 =	sadd.s32 $0x88, s3;
	s6 =	simm.s32 @!p1 $0x1082;
	[sflag:s4] =	ssyncset.s32 $0xFFFFF086  }
0x25: {  	[simem:s6], [sflag:s4] =	dma.local [hbm:s3], $0xF7A  }
0x26: {  	[smem:$0x3F97] =	sst s1;
	(tag) =	ssettag s2;
	_ =	strace s9  }
0x27: {  	s1 =	sld [smem:$0x3FA7]  }
0x28: {  	s2 =	sld [smem:$0x3FA8]  }
0x29: {  	s4 =	sld [smem:$0x3FAA]  }
0x2a: {  	p0 =	seq.s32 s5, $0x0;
	s5 =	sld [smem:$0x3FAB]  }
0x2b: {  	s6 =	sld [smem:$0x3FAC]  }
0x2c: {  	s7 =	sld [smem:$0x3FAD]  }
0x2d: {  	s3 =	simm.s32 $0x108;
	s8 =	sld [smem:$0x3FAE]  }
0x2e: {  	s3 =	simm.s32 @!p0 $0x1082;
	s9 =	sld [smem:$0x3FAF]  }
0x2f: {  	lr =	sadd.s32 s0, s3;
	s0 =	sld [smem:$0x3FA6]  }
0x30: {  	s3 =	sld [smem:$0x3FA9]  }
0x31: {  	[smem:$0x3FB2] =	sst s10  }
0x32: {  	s10 =	sld [smem:$0x3FB0];
	_ =	sdelay $0x3  }
0x33: {  	p0 =	seq.s32 s10, $0x1;
	s10 =	sld [smem:$0x3FB2];
	_ =	sdelay $0x3  }
0x34: {  	[smem:$0x3FB2] =	sst s10  }
0x35: {  	s10 =	sld [smem:$0x3FB1];
	_ =	sdelay $0x3  }
0x36: {  	p1 =	seq.s32 s10, $0x1;
	s10 =	sld [smem:$0x3FB2];
	_ =	sdelay $0x3  }
0x37: {  	[smem:$0x3FB2] =	sst s10  }
0x38: {  	s10 =	sld [smem:$0x3FB3]  }
0x39: {  	_ = 	snop;
	(pc) =	sbr.ind lr, $3  }
0x3a: {  	_ = 	snop  }
0x3b: {  	_ = 	snop  }
0x3c: {  	p2 =	seq.s32 s10, $0x1;
	s10 =	sld [smem:$0x3FB2]  }
0x3d: {  	_ =	shalt  }
0x3e: {  	_ =	shalt  }
0x3f: {  	_ =	shalt  }
0x40: {  	_ =	shalt  }
0x41: {  	_ =	shalt  }
0x42: {  	_ =	shalt  }
0x43: {  	_ =	shalt  }
0x44: {  	_ =	shalt  }
0x45: {  	_ =	shalt  }
0x46: {  	_ =	shalt  }
0x47: {  	_ =	shalt  }
0x48: {  	_ =	shalt  }
0x49: {  	_ =	shalt  }
0x4a: {  	_ =	shalt  }
0x4b: {  	_ =	shalt  }
0x4c: {  	_ =	shalt  }
0x4d: {  	_ =	shalt  }
0x4e: {  	_ =	shalt  }
0x4f: {  	_ =	shalt  }
0x50: {  	_ =	shalt  }
0x51: {  	_ =	shalt  }
0x52: {  	_ =	shalt  }
0x53: {  	_ =	shalt  }
0x54: {  	_ =	shalt  }
0x55: {  	_ =	shalt  }
0x56: {  	_ =	shalt  }
0x57: {  	_ =	shalt  }
0x58: {  	_ =	shalt  }
0x59: {  	_ =	shalt  }
0x5a: {  	_ =	shalt  }
0x5b: {  	_ =	shalt  }
0x5c: {  	_ =	shalt  }
0x5d: {  	_ =	shalt  }
0x5e: {  	_ =	shalt  }
0x5f: {  	_ =	shalt  }
0x60: {  	_ =	shalt  }
0x61: {  	_ =	shalt  }
0x62: {  	_ =	shalt  }
0x63: {  	_ =	shalt  }
0x64: {  	_ =	shalt  }
0x65: {  	_ =	shalt  }
0x66: {  	_ =	shalt  }
0x67: {  	_ =	shalt  }
0x68: {  	_ =	shalt  }
0x69: {  	_ =	shalt  }
0x6a: {  	_ =	shalt  }
0x6b: {  	_ =	shalt  }
0x6c: {  	_ =	shalt  }
0x6d: {  	_ =	shalt  }
0x6e: {  	_ =	shalt  }
0x6f: {  	_ =	shalt  }
0x70: {  	_ =	shalt  }
0x71: {  	_ =	shalt  }
0x72: {  	_ =	shalt  }
0x73: {  	_ =	shalt  }
0x74: {  	_ =	shalt  }
0x75: {  	_ =	shalt  }
0x76: {  	_ =	shalt  }
0x77: {  	_ =	shalt  }
0x78: {  	_ =	shalt  }
0x79: {  	_ =	shalt  }
0x7a: {  	_ =	shalt  }
0x7b: {  	_ =	shalt  }
0x7c: {  	_ =	shalt  }
0x7d: {  	_ =	shalt  }
0x7e: {  	_ =	shalt  }
0x7f: {  	_ =	shalt  }
0x80: {  	_ =	shalt  }
0x81: {  	_ =	shalt  }
0x82: {  	_ =	shalt  }
0x83: {  	_ =	shalt  }
0x84: {  	_ =	shalt  }
0x85: {  	_ =	shalt  }
0x86: {  	_ =	shalt  }
0x87: {  	_ =	shalt  }
.Lfunc_end0:
.L_simem_size_0:
called_computation_lowered:
.L_overlay_start_0:
0x88: {  	s0 =	sld [smem:$0x3FD9]  }
0x89: {  	s1 =	sld [smem:$0x3FFE];
	_ =	sdelay $0x3  }
0x8a: {  	s0 =	sadd.s32 s1, s0  }
0x8b: {  	[smem:$0x3FBE] =	sst s0  }
0x8c: {  	_ = 	snop  }
0x8d: {  	s0 =	sld [smem:$0x3FD0];
	_ =	sdelay $0x2  }
0x8e: {  	s2 =	simm.s32 $0xA;
	s3 =	simm.s32 $0x10;
	s13 =	sld [smem:$0x3FC6]  }
0x8f: {  	[smem:s3], [sflag:s2] =	dma.local [hbm:s0], $0x1  }
0x90: {  	_ =	swait.eq [sflag:s2], $0x1  }
0x91: {  	[sflag:s2] =	ssyncset.done $0x0  }
0x92: {  	[sflag:s2] =	ssyncadd.s32 $0xFFFFFFFF  }
0x93: {  	s14 =	sld [smem:$0x12];
	(tm) =	ssettm $0x1  }
0x94: {  	s15 =	sld [smem:$0x3FFB];
	_ =	sdelay $0x3  }
0x95: {  	_ =	strace s15  }
0x96: {  	s2 =	sld [smem:$0x3FFC];
	_ =	sdelay $0x3  }
0x97: {  	_ =	strace s2  }
0x98: {  	s2 =	sld [smem:$0x3FFD];
	_ =	sdelay $0x3  }
0x99: {  	_ =	strace s2  }
0x9a: {  	_ =	strace $0x8FFFFFFF  }
0x9b: {  	s16 =	sld [smem:$0x3FDB];
	_ =	sdelay $0x1  }
0x9c: {  	s17 =	simm.s32 $_scs_section_size  }
0x9d: {  	s4 =	simm.s32 $_size__tile_overlayer_lowered;
	s5 =	simm.s32 $_tile_overlayer_lowered  }
0x9e: {  	s20 =	simm.s32 $0x1BFF;
	s19 =	sshll.u32 s5, $0x1;
	s2 =	sadd.s32 s17, s16  }
0x9f: {  	s6 =	simm.s32 $0x0;
	s18 =	sshll.u32 s4, $0x1;
	s4 =	sadd.s32 s19, s2  }
0xa0: {  	[timem:s6], [sflag:s20] =	dma.local [hbm:s4], s18  }
0xa1: {  	_ =	swait.ge [sflag:s20], s18  }
0xa2: {  	s3 =	ssub.s32 $0x0, s18;
	[sflag:s20] =	ssyncset.done $0x0  }
0xa3: {  	[sflag:s20] =	ssyncadd.s32 s3;
	_ =	sdelay $0x1  }
0xa4: {  	s21 =	simm.s32 $0x1B8B  }
0xa5: {  	_ =	swait.ge [sflag:s21], $0x1  }
0xa6: {  	[sflag:s21] =	ssyncset.done $0x0  }
0xa7: {  	s23 =	simm.s32 $0x1B8E;
	s22 =	sld [smem:$0x3FFE];
	[sflag:s21] =	ssyncadd.s32 $0xFFFFFFFF  }
0xa8: {  	s24 =	simm.s32 $execute0_lowered;
	[smem:$0x3FD2] =	sst s23  }
0xa9: {  	s4 =	sshll.u32 s24, $0x1;
	_ =	strace $0x80000046;
	[dreg:$0x1] =	wrdreg $0xFFFFFFFF  }
0xaa: {  	s25 =	simm.s32 $_size_execute0_lowered;
	s2 =	sadd.s32 s2, s4;
	[dreg:$0x0] =	wrdreg $0x0  }
0xab: {  	s4 =	sshll.u32 s25, $0x1;
	[dreg:$0x2] =	wrdreg s2  }
0xac: {  	[dreg:$0x3] =	wrdreg s4  }
0xad: {  	[dreg:$0x4] =	wrdreg $0xC0  }
0xae: {  	_ =	task [dreg:s6], $0x5FFFF  }
0xaf: {  	[dreg:$0x1] =	wrdreg $0xFFFFFFFF  }
0xb0: {  	[dreg:$0x0] =	wrdreg $0x60  }
0xb1: {  	[dreg:$0x2] =	wrdreg s13  }
0xb2: {  	[dreg:$0x3] =	wrdreg s14  }
0xb3: {  	[dreg:$0x4] =	wrdreg s22  }
0xb4: {  	[dreg:$0x5] =	wrdreg $0x9  }
0xb5: {  	_ =	task.clear_ibuf [dreg:s6], $0x6FFFF;
	_ =	strace $0x90000046  }
0xb6: {  	s26 =	simm.s32 $0x9;
	_ =	strace $0x80000048  }
0xb7: {  	_ =	swait.ge [sflag:s26], $0x1  }
0xb8: {  	[sflag:s26] =	ssyncadd.s32 $0xFFFFFFFF  }
0xb9: {  	_ =	strace $0x90000048  }
0xba: {  	_ =	sfence  }
0xbb: {  	s28 =	sld [smem:$0x0];
	_ =	sdelay $0x1  }
0xbc: {  	s29 =	srdreg.scid  }
0xbd: {  	s30 =	sshll.u32 s29, $0xD;
	s31 =	sshrl.u32 s29, $0x2  }
0xbe: {  	s1 =	sand.u32 $0x1, s29;
	s2 =	sand.u32 $0x4000, s30;
	s0 =	sadd.s32 s31, s28  }
0xbf: {  	s1 =	sor.u32 s2, s1;
	s0 =	sshll.u32 s0, $0x11  }
0xc0: {  	s0 =	sor.u32 s0, s1  }
0xc1: {  	s0 =	sadd.s32 $0x8F2B, s0  }
0xc2: {  	[sflag:s0] =	ssyncadd.remote.s32 $0x1  }
0xc3: {  	_ =	sfence.sel $0xFFFF  }
0xc4: {  	[dreg:$0x0] =	wrdreg $0xFFFFFFFF;
	(pc) =	sbr.abs _section_cstart, $3  }
0xc5: {  	[dreg:$0x1] =	wrdreg $0xFFFFFFFF  }
0xc6: {  	_ =	task.clear_ibuf [dreg:s6], $0x2FFFF;
	_ =	strace $0x9FFFFFFF  }
0xc7: {  	(tm) =	ssettm $0x7FFFFFFF  }
tec
execute0_lowered:
.L_overlay_start_1:
0x0: {  	(tag) =	ssettag $0x1  }
0x1: {  	s1 =	stileid.u32  }
0x2: {  	p0 =	seq.s32 s1, $0x1  }
.Ltmp0:
0x3: {  	s2 =	rddreg [dreg:$0x0];
	(pc) =	sbr.rel @p0 .LBB2_9-.Ltmp0, $4  }
0x4: {  	s3 =	rddreg [dreg:$0x1]  }
0x5: {  	s6 =	rddreg [dreg:$0x2];
	s4 =	simm.s32 $0x0  }
0x6: {  	[smem:$0x7FF] =	sst s4  }
0x7: {  	s0 =	rddreg [dreg:$0x3];
	_ =	strace $0x80000047  }
0x8: {  	p0 =	sne.s32 s1, $0x0  }
.Ltmp1:
0x9: {  	_ = 	snop;
	(pc) =	sbr.rel @p0 .LBB2_13-.Ltmp1, $1  }
0xa: {  	_ =	sdelay $0x3  }
0xb: {  	s4 =	simm.s32 $0x0;
	s31 =	simm.s32 $0x1  }
0xc: {  	[tilespmem:s4], [sflag:$0x1] =	stream.linear.gather [hbm4b:s2+s4], $0x800, $0x38;
	[tilespmem:$0x5800] =	vst v63  }
0xd: {  	_ =	swait.ge [sflag:s31], $0x800  }
0xe: {  	[sflag:s31] =	ssyncset.done $0x0  }
0xf: {  	s5 =	simm.s32 $0x1800;
	[sflag:s31] =	ssyncadd.s32 $0xFFFFF800  }
0x10: {  	[tilespmem:s5], [sflag:$0x1] =	stream.linear.gather [hbm4b:s3+s4], $0x2000, $0x38;
	[tilespmem:$0x5800] =	vst v63  }
0x11: {  	_ =	swait.ge [sflag:s31], $0x2000  }
0x12: {  	[sflag:s31] =	ssyncset.done $0x0  }
0x13: {  	v0 =	vimm.s32 $0x0;
	s3 =	simm.s32 $0x880;
	[sflag:s31] =	ssyncadd.s32 $0xFFFFE000  }
0x14: {  	[tilespmem:s3+$0xFFFFFF80] =	vst v0  }
0x15: {  	[tilespmem:s3+$0x70] =	vst v0  }
0x16: {  	[tilespmem:s3+$0x60] =	vst v0  }
0x17: {  	[tilespmem:s3+$0x50] =	vst v0  }
0x18: {  	[tilespmem:s3+$0x40] =	vst v0  }
0x19: {  	[tilespmem:s3+$0x30] =	vst v0  }
0x1a: {  	[tilespmem:s3+$0x20] =	vst v0  }
0x1b: {  	[tilespmem:s3+$0x10] =	vst v0  }
0x1c: {  	[tilespmem:s3+$0x0] =	vst v0  }
0x1d: {  	[tilespmem:s3+$0xFFFFFFF0] =	vst v0  }
0x1e: {  	[tilespmem:s3+$0xFFFFFFE0] =	vst v0  }
0x1f: {  	[tilespmem:s3+$0xFFFFFFD0] =	vst v0  }
0x20: {  	[tilespmem:s3+$0xFFFFFFC0] =	vst v0  }
0x21: {  	[tilespmem:s3+$0xFFFFFFB0] =	vst v0  }
0x22: {  	s2 =	sadd.s32 $0xA00, s6;
	s4 =	simm.s32 $0x0;
	[tilespmem:s3+$0xFFFFFFA0] =	vst v0  }
.LBB2_3:
0x23: {  	s4 =	sadd.s32 $0x10, s4;
	[tilespmem:s3+$0xFFFFFF90] =	vst v0;
	s3 =	sadd.s32 $0x100, s3  }
0x24: {  	[tilespmem:s3+$0xFFFFFF80] =	vst v0;
	p0 =	slt.u32 s4, $0xF0  }
0x25: {  	[tilespmem:s3+$0x70] =	vst v0  }
0x26: {  	[tilespmem:s3+$0x60] =	vst v0  }
0x27: {  	[tilespmem:s3+$0x50] =	vst v0  }
0x28: {  	[tilespmem:s3+$0x40] =	vst v0  }
0x29: {  	[tilespmem:s3+$0x30] =	vst v0  }
0x2a: {  	[tilespmem:s3+$0x20] =	vst v0  }
0x2b: {  	[tilespmem:s3+$0x10] =	vst v0  }
0x2c: {  	[tilespmem:s3+$0x0] =	vst v0  }
0x2d: {  	[tilespmem:s3+$0xFFFFFFF0] =	vst v0  }
.Ltmp2:
0x2e: {  	[tilespmem:s3+$0xFFFFFFE0] =	vst v0;
	(pc) =	sbr.rel @p0 .LBB2_3-.Ltmp2, $4  }
0x2f: {  	[tilespmem:s3+$0xFFFFFFD0] =	vst v0  }
0x30: {  	[tilespmem:s3+$0xFFFFFFC0] =	vst v0  }
0x31: {  	[tilespmem:s3+$0xFFFFFFB0] =	vst v0  }
0x32: {  	[tilespmem:s3+$0xFFFFFFA0] =	vst v0  }
0x33: {  	[tilespmem:s3+$0xFFFFFF90] =	vst v0;
	s5 =	simm.s32 $0x80  }
0x34: {  	v0 =	vld [tilespmem:s5+$0x70]  }
0x35: {  	v1 =	vld [tilespmem:s5+$0xFFFFFF90]  }
0x36: {  	v3 =	vld [tilespmem:s5+$0xFFFFFFA0]  }
0x37: {  	v4 =	vld [tilespmem:s5+$0xFFFFFFB0]  }
0x38: {  	v5 =	vld [tilespmem:s5+$0xFFFFFFC0]  }
0x39: {  	v11 =	vld [tilespmem:s5+$0xFFFFFFD0]  }
0x3a: {  	v12 =	vld [tilespmem:s5+$0xFFFFFFE0]  }
0x3b: {  	v2 =	vimm.s32 $0x1;
	s4 =	simm.s32 $0x800;
	v13 =	vld [tilespmem:s5+$0xFFFFFFF0]  }
0x3c: {  	v10 =	vld [tilespmem:s5+$0x0];
	[tilespmem:v0+s4+$0x0] =	vst.idx.msk $0xffff, v2  }
0x3d: {  	v9 =	vld [tilespmem:s5+$0x10];
	[tilespmem:v1+s4+$0x0] =	vst.idx.msk $0xffff, v2  }
0x3e: {  	v8 =	vld [tilespmem:s5+$0x20];
	[tilespmem:v3+s4+$0x0] =	vst.idx.msk $0xffff, v2  }
0x3f: {  	v7 =	vld [tilespmem:s5+$0x30];
	[tilespmem:v4+s4+$0x0] =	vst.idx.msk $0xffff, v2  }
0x40: {  	v6 =	vld [tilespmem:s5+$0x40];
	[tilespmem:v5+s4+$0x0] =	vst.idx.msk $0xffff, v2  }
0x41: {  	[tilespmem:v11+s4+$0x0] =	vst.idx.msk $0xffff, v2;
	v5 =	vld [tilespmem:s5+$0x50]  }
0x42: {  	[tilespmem:v12+s4+$0x0] =	vst.idx.msk $0xffff, v2;
	v4 =	vld [tilespmem:s5+$0x60]  }
0x43: {  	s3 =	simm.s32 $0x0;
	v3 =	vld [tilespmem:s5+$0xFFFFFF80];
	[tilespmem:v13+s4+$0x0] =	vst.idx.msk $0xffff, v2;
	s5 =	simm.s32 $0x180  }
.LBB2_5:
0x44: {  	v0 =	vld [tilespmem:s5+$0x70];
	s3 =	sadd.s32 $0x10, s3;
	[tilespmem:v10+s4+$0x0] =	vst.idx.msk $0xffff, v2  }
0x45: {  	v1 =	vld [tilespmem:s5+$0xFFFFFF90];
	p0 =	slt.u32 s3, $0x70;
	[tilespmem:v9+s4+$0x0] =	vst.idx.msk $0xffff, v2  }
0x46: {  	v11 =	vld [tilespmem:s5+$0xFFFFFFA0];
	[tilespmem:v8+s4+$0x0] =	vst.idx.msk $0xffff, v2  }
0x47: {  	v12 =	vld [tilespmem:s5+$0xFFFFFFB0];
	[tilespmem:v7+s4+$0x0] =	vst.idx.msk $0xffff, v2  }
0x48: {  	v13 =	vld [tilespmem:s5+$0xFFFFFFC0];
	[tilespmem:v6+s4+$0x0] =	vst.idx.msk $0xffff, v2  }
0x49: {  	v14 =	vld [tilespmem:s5+$0xFFFFFFD0];
	[tilespmem:v5+s4+$0x0] =	vst.idx.msk $0xffff, v2  }
0x4a: {  	v15 =	vld [tilespmem:s5+$0xFFFFFFE0];
	[tilespmem:v4+s4+$0x0] =	vst.idx.msk $0xffff, v2  }
0x4b: {  	v16 =	vld [tilespmem:s5+$0xFFFFFFF0];
	[tilespmem:v3+s4+$0x0] =	vst.idx.msk $0xffff, v2  }
0x4c: {  	v10 =	vld [tilespmem:s5+$0x0];
	[tilespmem:v0+s4+$0x0] =	vst.idx.msk $0xffff, v2  }
0x4d: {  	[tilespmem:v1+s4+$0x0] =	vst.idx.msk $0xffff, v2;
	v9 =	vld [tilespmem:s5+$0x10]  }
0x4e: {  	[tilespmem:v11+s4+$0x0] =	vst.idx.msk $0xffff, v2;
	v8 =	vld [tilespmem:s5+$0x20]  }
.Ltmp3:
0x4f: {  	[tilespmem:v12+s4+$0x0] =	vst.idx.msk $0xffff, v2;
	v7 =	vld [tilespmem:s5+$0x30];
	(pc) =	sbr.rel @p0 .LBB2_5-.Ltmp3, $4  }
0x50: {  	[tilespmem:v13+s4+$0x0] =	vst.idx.msk $0xffff, v2;
	v6 =	vld [tilespmem:s5+$0x40]  }
0x51: {  	[tilespmem:v14+s4+$0x0] =	vst.idx.msk $0xffff, v2;
	v5 =	vld [tilespmem:s5+$0x50]  }
0x52: {  	[tilespmem:v15+s4+$0x0] =	vst.idx.msk $0xffff, v2;
	v4 =	vld [tilespmem:s5+$0x60]  }
0x53: {  	v3 =	vld [tilespmem:s5+$0xFFFFFF80];
	[tilespmem:v16+s4+$0x0] =	vst.idx.msk $0xffff, v2;
	s5 =	sadd.s32 $0x100, s5  }
0x54: {  	_ =	sdelay $0x1  }
0x55: {  	s3 =	simm.s32 $0xF0;
	v0 =	vlaneseq.u32  }
0x56: {  	v1 =	vimm.s32 $0x0;
	s5 =	simm.s32 $0x0;
	s6 =	simm.s32 $0x10;
	s21 =	simm.s32 $0x20;
	v0 =	vmul.u32 $0x2, v0;
	v11 =	vmov s3  }
0x57: {  	s22 =	simm.s32 $0x30;
	[tilespmem:v10+s4+$0x0] =	vst.idx.msk $0xffff, v2;
	s23 =	simm.s32 $0x70;
	s24 =	simm.s32 $0x80;
	v13 =	vmov s5;
	v14 =	vmov s6;
	v10 =	vmov s21  }
0x58: {  	s25 =	simm.s32 $0x90;
	[tilespmem:v9+s4+$0x0] =	vst.idx.msk $0xffff, v2;
	s26 =	simm.s32 $0xA0;
	s28 =	simm.s32 $0xB0;
	v15 =	vmov s22;
	v9 =	vmov s23;
	v16 =	vmov s24  }
0x59: {  	s7 =	simm.s32 $0x60;
	s29 =	simm.s32 $0xC0;
	[tilespmem:v8+s4+$0x0] =	vst.idx.msk $0xffff, v2;
	v17 =	vmov s25;
	v8 =	vmov s26;
	v18 =	vmov s28  }
0x5a: {  	[tilespmem:v7+s4+$0x0] =	vst.idx.msk $0xffff, v2;
	v19 =	vmov s29;
	v12 =	vshll.u32 v11, $0x1;
	v11 =	vmov s7  }
0x5b: {  	[tilespmem:v6+s4+$0x0] =	vst.idx.msk $0xffff, v2;
	v7 =	vshll.u32 v13, $0x1;
	v13 =	vshll.u32 v14, $0x1;
	v6 =	vshll.u32 v10, $0x1  }
0x5c: {  	v10 =	vshll.u32 v15, $0x1;
	v9 =	vshll.u32 v9, $0x1;
	[tilespmem:v5+s4+$0x0] =	vst.idx.msk $0xffff, v2;
	v14 =	vshll.u32 v16, $0x1  }
0x5d: {  	s30 =	simm.s32 $0xD0;
	v15 =	vshll.u32 v17, $0x1;
	v8 =	vshll.u32 v8, $0x1;
	v17 =	vshll.u32 v18, $0x1;
	[tilespmem:v4+s4+$0x0] =	vst.idx.msk $0xffff, v2  }
0x5e: {  	v18 =	vshll.u32 v19, $0x1;
	v16 =	vmov s30;
	v12 =	vor.u32 v0, v12;
	[tilespmem:v3+s4+$0x0] =	vst.idx.msk $0xffff, v2;
	s4 =	simm.s32 $0x880  }
0x5f: {  	v5 =	vor.u32 v0, v7;
	v4 =	vor.u32 v0, v13;
	v60 =	vor.u32 v0, v10;
	v10 =	vld [tilespmem:s4+$0xFFFFFF80]  }
0x60: {  	v7 =	vor.u32 v0, v14;
	v13 =	vor.u32 v0, v15;
	v14 =	vshll.u32 v16, $0x1;
	v15 =	vld [tilespmem:s4+$0xFFFFFF90]  }
0x61: {  	s31 =	simm.s32 $0xE0;
	v16 =	vor.u32 v0, v8;
	v19 =	vor.u32 v0, v17;
	v3 =	vor.u32 v0, v6;
	v27 =	vld [tilespmem:s4+$0xFFFFFFA0]  }
0x62: {  	v6 =	vor.u32 v0, v9;
	v9 =	vmov s31;
	v23 =	vor.u32 v0, v14;
	v14 =	vld [tilespmem:s4+$0xFFFFFFB0]  }
0x63: {  	v21 =	vor.u32 v0, v18;
	v25 =	vor.u32 $0x1, v12;
	v17 =	vshll.u32 v9, $0x1  }
0x64: {  	v61 =	vor.u32 $0x1, v7;
	v2 =	vor.u32 $0x1, v13;
	v26 =	vor.u32 v0, v17;
	v17 =	vld [tilespmem:s4+$0xFFFFFFC0]  }
0x65: {  	v18 =	vor.u32 $0x1, v16;
	v20 =	vor.u32 $0x1, v19;
	vm4 =	veq.s32 v10, $0x0;
	v10 =	vld [tilespmem:s4+$0xFFFFFFD0]  }
0x66: {  	v22 =	vor.u32 $0x1, v21;
	vm3 =	veq.s32 v15, $0x0;
	v15 =	vld [tilespmem:s4+$0xFFFFFFE0];
	vm2 =	veq.s32 v27, $0x0  }
0x67: {  	v27 =	vld [tilespmem:s4+$0xFFFFFFF0];
	vm1 =	veq.s32 v14, $0x0;
	v28 =	vmpcnt.ones.xlane vm4;
	v29 =	vmpcnt.ones.xlane vm3  }
0x68: {  	v24 =	vor.u32 $0x1, v23;
	v14 =	vld [tilespmem:s4+$0x0];
	v30 =	vmpcnt.ones.xlane vm2;
	v31 =	vmpcnt.ones.xlane vm1  }
0x69: {  	vm0 =	veq.s32 v17, $0x0;
	v40 =	vsel vm3, $0x1, v1;
	v28 =	vadd.s32 v1, v28  }
0x6a: {  	v17 =	vld [tilespmem:s4+$0x10];
	v57 =	vsel vm1, $0x1, v1;
	v51 =	vsel vm2, $0xFFFFFFFF, v1;
	v29 =	vadd.s32 v28, v29  }
0x6b: {  	v32 =	vmpcnt.ones.xlane vm0;
	v41 =	vsel vm0, $0x1, v1;
	v30 =	vadd.s32 v29, v30  }
0x6c: {  	vm12 =	veq.s32 v10, $0x0;
	vm5 =	veq.s32 v15, $0x0;
	vm6 =	veq.s32 v27, $0x0  }
0x6d: {  	v10 =	vld [tilespmem:s4+$0x20];
	vm7 =	veq.s32 v14, $0x0;
	v29 =	vadd.s32 v51, v29;
	v33 =	vmpcnt.ones.xlane vm12  }
0x6e: {  	v15 =	vld [tilespmem:s4+$0x30];
	v31 =	vadd.s32 v30, v31;
	v34 =	vmpcnt.ones.xlane vm5;
	v35 =	vmpcnt.ones.xlane vm6  }
0x6f: {  	v27 =	vld [tilespmem:s4+$0x40];
	v36 =	vmpcnt.ones.xlane vm7;
	vm8 =	veq.s32 v17, $0x0;
	v42 =	vsel vm12, $0x1, v1  }
0x70: {  	v14 =	vld [tilespmem:s4+$0x50];
	v43 =	vsel vm5, $0x1, v1;
	v58 =	vsel vm6, $0x1, v1;
	v32 =	vadd.s32 v31, v32  }
0x71: {  	v59 =	vsel vm7, $0x1, v1;
	v52 =	vsel vm5, $0xFFFFFFFF, v1;
	v33 =	vadd.s32 v32, v33  }
0x72: {  	v17 =	vld [tilespmem:s4+$0x60];
	v63 =	vsel vm7, $0xFFFFFFFF, v1;
	v37 =	vmpcnt.ones.xlane vm8;
	v34 =	vadd.s32 v33, v34  }
0x73: {  	v44 =	vsel vm8, $0x1, v1;
	v33 =	vadd.s32 v52, v33;
	v35 =	vadd.s32 v34, v35  }
0x74: {  	vm9 =	veq.s32 v10, $0x0;
	vm10 =	veq.s32 v15, $0x0;
	vm11 =	veq.s32 v27, $0x0  }
0x75: {  	v27 =	vsel vm4, $0x1, v1;
	vm13 =	veq.s32 v14, $0x0;
	v38 =	vmpcnt.ones.xlane vm9  }
0x76: {  	v36 =	vadd.s32 v35, v36;
	v54 =	vmpcnt.ones.xlane vm10;
	v39 =	vmpcnt.ones.xlane vm11  }
0x77: {  	v10 =	vld [tilespmem:s4+$0x70];
	v55 =	vmpcnt.ones.xlane vm13;
	vm14 =	veq.s32 v17, $0x0;
	v62 =	vsel vm9, $0x1, v1  }
0x78: {  	v45 =	vsel vm10, $0x1, v1;
	v46 =	vsel vm11, $0x1, v1;
	v15 =	vadd.s32 v36, v37  }
0x79: {  	v35 =	vadd.s32 v63, v35;
	v63 =	vsel vm9, $0xFFFFFFFF, v1;
	v38 =	vadd.s32 v15, v38  }
0x7a: {  	(xrf0) =	vadd.scan.msk.s32 $0xffff, v27;
	v27 =	vmpcnt.ones.xlane vm14;
	v48 =	vsel vm14, $0x1, v1;
	v14 =	vadd.s32 v38, v54  }
0x7b: {  	v15 =	vadd.s32 v63, v15;
	v54 =	vsel vm13, $0xFFFFFFFF, v1;
	v17 =	vadd.s32 v14, v39  }
0x7c: {  	(xrf0) =	vadd.scan.msk.s32 $0xffff, v40;
	vm15 =	veq.s32 v10, $0x0;
	v10 =	vsel vm2, $0x1, v1;
	v39 =	vsel vm12, $0xFFFFFFFF, v1  }
0x7d: {  	v37 =	vadd.s32 v17, v55;
	v56 =	vmpcnt.ones.xlane vm15;
	(xrf0) =	vadd.scan.msk.s32 $0xffff, v10;
	v49 =	vsel vm15, $0x1, v1  }
0x7e: {  	v55 =	vsel vm14, $0xFFFFFFFF, v1;
	v17 =	vadd.s32 v54, v17;
	v32 =	vadd.s32 v39, v32;
	(xrf0) =	vadd.scan.msk.s32 $0xffff, v57  }
0x7f: {  	v54 =	vsel vm1, $0xFFFFFFFF, v1;
	v27 =	vadd.s32 v37, v27;
	v57 =	vsel vm10, $0xFFFFFFFF, v1;
	(xrf0) =	vadd.scan.msk.s32 $0xffff, v41  }
0x80: {  	v37 =	vadd.s32 v55, v37;
	v30 =	vadd.s32 v54, v30;
	v10 =	vadd.s32 v27, v56;
	(xrf0) =	vadd.scan.msk.s32 $0xffff, v42  }
0x81: {  	v47, _, _ =	vpop (xrf0);
	v38 =	vadd.s32 v57, v38;
	v42 =	vsel vm13, $0x1, v1;
	(xrf0) =	vadd.scan.msk.s32 $0xffff, v43;
	v43 =	vsel vm3, $0xFFFFFFFF, v1  }
0x82: {  	v50, _, _ =	vpop (xrf0);
	(xrf0) =	vadd.scan.msk.s32 $0xffff, v58;
	v58 =	vsel vm11, $0xFFFFFFFF, v1;
	v28 =	vadd.s32 v43, v28;
	v43 =	vor.u32 $0x1, v26  }
0x83: {  	v53, _, _ =	vpop (xrf0);
	(xrf0) =	vadd.scan.msk.s32 $0xffff, v59;
	v59 =	vsel vm15, $0xFFFFFFFF, v1;
	v14 =	vadd.s32 v58, v14;
	v58 =	vsel vm0, $0xFFFFFFFF, v1  }
0x84: {  	v28 =	vadd.s32 v50, v28;
	(xrf0) =	vadd.scan.msk.s32 $0xffff, v44;
	v44, _, _ =	vpop (xrf0);
	v27 =	vadd.s32 v59, v27;
	v59 =	vsel vm4, $0xFFFFFFFF, v1  }
0x85: {  	v31 =	vadd.s32 v58, v31;
	v29 =	vadd.s32 v53, v29;
	v28 =	vshll.u32 v28, $0x1;
	v55, _, _ =	vpop (xrf0);
	(xrf0) =	vadd.scan.msk.s32 $0xffff, v62  }
0x86: {  	v62 =	vsel vm8, $0xFFFFFFFF, v1;
	v30 =	vadd.s32 v44, v30;
	v29 =	vshll.u32 v29, $0x1;
	(xrf0) =	vadd.scan.msk.s32 $0xffff, v45;
	v45, _, _ =	vpop (xrf0)  }
0x87: {  	v36 =	vadd.s32 v62, v36;
	v31 =	vadd.s32 v55, v31;
	(xrf0) =	vadd.scan.msk.s32 $0xffff, v46;
	v41, _, _ =	vpop (xrf0);
	v46 =	vsel vm6, $0xFFFFFFFF, v1  }
0x88: {  	s5 =	simm.s32 $0x1800;
	v32 =	vadd.s32 v45, v32;
	(xrf0) =	vadd.scan.msk.s32 $0xffff, v42;
	v39, _, _ =	vpop (xrf0);
	v34 =	vadd.s32 v46, v34;
	v42 =	vadd.s32 v59, v1  }
0x89: {  	v50 =	vshll.u32 v30, $0x1;
	v33 =	vadd.s32 v41, v33;
	(xrf0) =	vadd.scan.msk.s32 $0xffff, v48;
	v56, _, _ =	vpop (xrf0);
	v34 =	vadd.s32 v39, v34;
	v48 =	vld.idx.msk [tilespmem:v22+s5+$0x0], $0xffff  }
0x8a: {  	v54 =	vadd.s32 v47, v42;
	v33 =	vshll.u32 v33, $0x1;
	v22 =	vld.idx.msk [tilespmem:v16+s5+$0x0], $0xffff;
	v16 =	vshll.u32 v11, $0x1;
	v57, _, _ =	vpop (xrf0)  }
0x8b: {  	v11 =	vor.u32 $0x1, v6;
	(xrf0) =	vadd.scan.msk.s32 $0xffff, v49;
	v35 =	vadd.s32 v56, v35;
	v34 =	vshll.u32 v34, $0x1;
	v62, _, _ =	vpop (xrf0)  }
0x8c: {  	v49 =	vshll.u32 v54, $0x1;
	v36 =	vadd.s32 v57, v36;
	v35 =	vshll.u32 v35, $0x1;
	v63, _, _ =	vpop (xrf0)  }
0x8d: {  	v15 =	vadd.s32 v62, v15;
	v36 =	vshll.u32 v36, $0x1;
	v39 =	vadd.s32 $0x1001, v35;
	v51, _, _ =	vpop (xrf0)  }
0x8e: {  	v13 =	vld.idx.msk [tilespmem:v13+s5+$0x0], $0xffff;
	v38 =	vadd.s32 v63, v38;
	v44 =	vshll.u32 v15, $0x1;
	v42 =	vadd.s32 $0x1000, v36;
	v52, _, _ =	vpop (xrf0)  }
0x8f: {  	v25 =	vld.idx.msk [tilespmem:v25+s5+$0x0], $0xffff;
	v40 =	vadd.s32 $0x1001, v36;
	v14 =	vadd.s32 v51, v14;
	v17 =	vadd.s32 v52, v17;
	v56, _, _ =	vpop (xrf0)  }
0x90: {  	v20 =	vld.idx.msk [tilespmem:v20+s5+$0x0], $0xffff;
	v59 =	vshll.u32 v14, $0x1;
	v52 =	vshll.u32 v32, $0x1;
	v37 =	vadd.s32 v56, v37  }
0x91: {  	v57, _, _ =	vpop (xrf0);
	v58 =	vshll.u32 v17, $0x1;
	v62 =	vadd.s32 $0x1000, v59;
	v47 =	vadd.s32 $0x1001, v59;
	v59 =	vld.idx.msk [tilespmem:v21+s5+$0x0], $0xffff  }
0x92: {  	v27 =	vadd.s32 v57, v27;
	v37 =	vshll.u32 v37, $0x1;
	v32 =	vadd.s32 $0x1000, v58;
	v57 =	vld.idx.msk [tilespmem:v23+s5+$0x0], $0xffff  }
0x93: {  	v26 =	vld.idx.msk [tilespmem:v26+s5+$0x0], $0xffff;
	v36 =	vadd.s32 $0x1000, v33;
	v51 =	vshll.u32 v31, $0x1;
	v31 =	vadd.s32 $0x1000, v37  }
0x94: {  	v38 =	vshll.u32 v38, $0x1;
	v63 =	vadd.s32 $0x1001, v58;
	v58 =	vld.idx.msk [tilespmem:v24+s5+$0x0], $0xffff;
	v27 =	vshll.u32 v27, $0x1  }
0x95: {  	s6 =	simm.s32 $0x3800;
	v41 =	vld.idx.msk [tilespmem:v12+s5+$0x0], $0xffff;
	v33 =	vadd.s32 $0x1001, v33;
	v46 =	vadd.s32 $0x1000, v38;
	v30 =	vadd.s32 $0x1000, v27  }
0x96: {  	v45 =	vadd.s32 $0x1001, v38;
	v38 =	vadd.s32 $0x1001, v34;
	v56 =	vld.idx.msk [tilespmem:v43+s5+$0x0], $0xffff;
	v53 =	vadd.s32 $0x1001, v37;
	[tilespmem:v62+s6+$0x0] =	vst.idx.msk vm11, v59  }
0x97: {  	v18 =	vld.idx.msk [tilespmem:v18+s5+$0x0], $0xffff;
	v43 =	vadd.s32 $0x1000, v44;
	v44 =	vadd.s32 $0x1001, v44;
	v27 =	vadd.s32 $0x1001, v27;
	[tilespmem:v32+s6+$0x0] =	vst.idx.msk vm13, v57  }
0x98: {  	v12 =	vld.idx.msk [tilespmem:v60+s5+$0x0], $0xffff;
	v23 =	vadd.s32 $0x1001, v28;
	v24 =	vadd.s32 $0x1001, v29;
	v37 =	vadd.s32 $0x1000, v34;
	[tilespmem:v31+s6+$0x0] =	vst.idx.msk vm14, v26  }
0x99: {  	v15 =	vld.idx.msk [tilespmem:v4+s5+$0x0], $0xffff;
	v34 =	vadd.s32 $0x1001, v50;
	v32 =	vadd.s32 $0x1000, v51;
	v31 =	vadd.s32 $0x1000, v29;
	[tilespmem:v63+s6+$0x0] =	vst.idx.msk vm13, v58  }
0x9a: {  	v14 =	vld.idx.msk [tilespmem:v3+s5+$0x0], $0xffff;
	v29 =	vadd.s32 $0x1000, v50;
	v26 =	vadd.s32 $0x1001, v52;
	vm13 =	vmmov vm12;
	[tilespmem:v30+s6+$0x0] =	vst.idx.msk vm15, v41  }
0x9b: {  	v21 =	vld.idx.msk [tilespmem:v19+s5+$0x0], $0xffff;
	v41 =	vadd.s32 $0x1000, v35;
	v35 =	vadd.s32 $0x1000, v49;
	v30 =	vadd.s32 $0x1001, v49;
	[tilespmem:v53+s6+$0x0] =	vst.idx.msk vm14, v56  }
0x9c: {  	s9 =	simm.s32 $0x40;
	s8 =	simm.s32 $0x1F0;
	s7 =	simm.s32 $0x0;
	v17 =	vld.idx.msk [tilespmem:v5+s5+$0x0], $0xffff;
	[tilespmem:v27+s6+$0x0] =	vst.idx.msk vm15, v25;
	v25 =	vadd.s32 $0x1000, v28;
	v28 =	vadd.s32 $0x1001, v51;
	v27 =	vadd.s32 $0x1000, v52  }
.LBB2_7:
0x9d: {  	v7 =	vld.idx.msk [tilespmem:v7+s5+$0x0], $0xffff  }
0x9e: {  	v50 =	vor.u32 v0, v16;
	v8 =	vld.idx.msk [tilespmem:v61+s5+$0x0], $0xffff  }
0x9f: {  	v6 =	vld.idx.msk [tilespmem:v6+s5+$0x0], $0xffff;
	v4 =	vor.u32 $0x1, v4;
	[tilespmem:v47+s6+$0x0] =	vst.idx.msk vm11, v48  }
0xa0: {  	v49 =	vmov s9;
	v59 =	vld.idx.msk [tilespmem:v11+s5+$0x0], $0xffff;
	s25 =	sadd.s32 $0xFFFFFFA0, s8;
	v55 =	vor.u32 $0x1, v50;
	[tilespmem:v46+s6+$0x0] =	vst.idx.msk vm10, v21  }
0xa1: {  	v5 =	vor.u32 $0x1, v5;
	s4 =	sadd.s32 $0x100, s4;
	v54 =	vshll.u32 v49, $0x1;
	v62 =	vmov s25;
	v9 =	vld.idx.msk [tilespmem:v2+s5+$0x0], $0xffff;
	[tilespmem:v43+s6+$0x0] =	vst.idx.msk vm9, v22  }
0xa2: {  	s18 =	sadd.s32 $0xFFFFFF10, s8;
	v3 =	vor.u32 $0x1, v3;
	v47 =	vor.u32 v0, v54;
	[tilespmem:v42+s6+$0x0] =	vst.idx.msk vm8, v13;
	v54 =	vshll.u32 v62, $0x1;
	v62 =	vld [tilespmem:s4+$0xFFFFFFC0]  }
0xa3: {  	v19 =	vmov s8;
	s10 =	sadd.s32 $0xFFFFFF60, s3;
	s22 =	sadd.s32 $0xFFFFFF70, s8;
	v56 =	vmov s18;
	[tilespmem:v45+s6+$0x0] =	vst.idx.msk vm10, v20;
	v61 =	vld.idx.msk [tilespmem:v50+s5+$0x0], $0xffff  }
0xa4: {  	s21 =	sadd.s32 $0xFFFFFF40, s8;
	s28 =	sadd.s32 $0xFFFFFFC0, s8;
	v19 =	vshll.u32 v19, $0x1;
	v21 =	vmov s10;
	v2 =	vmov s22;
	[tilespmem:v44+s6+$0x0] =	vst.idx.msk vm9, v18;
	v53 =	vld.idx.msk [tilespmem:v4+s5+$0x0], $0xffff  }
0xa5: {  	s20 =	sadd.s32 $0xFFFFFF30, s8;
	v57 =	vmov s21;
	v63 =	vmov s28;
	v21 =	vshll.u32 v21, $0x1;
	[tilespmem:$0x1FFF0] =	vst v2;
	v48 =	vld.idx.msk [tilespmem:v55+s5+$0x0], $0xffff  }
0xa6: {  	s24 =	sadd.s32 $0xFFFFFF90, s8;
	s29 =	sadd.s32 $0xFFFFFFD0, s8;
	v22 =	vmov s20;
	[tilespmem:v41+s6+$0x0] =	vst.idx.msk vm7, v7;
	v58 =	vor.u32 v0, v21;
	v21 =	vor.u32 v0, v19;
	v19 =	vld.idx.msk [tilespmem:v5+s5+$0x0], $0xffff  }
0xa7: {  	v13 =	vmov s24;
	v7 =	vmov s29;
	[tilespmem:v25+s6+$0x0] =	vst.idx.msk vm3, v15;
	v55 =	vld.idx.msk [tilespmem:v3+s5+$0x0], $0xffff  }
0xa8: {  	v51 =	vor.u32 $0x1, v47;
	[tilespmem:v37+s6+$0x0] =	vst.idx.msk vm6, v6;
	v6 =	vshll.u32 v22, $0x1;
	v22 =	vshll.u32 v57, $0x1;
	v15 =	vld [tilespmem:s4+$0xFFFFFF90]  }
0xa9: {  	v13 =	vshll.u32 v13, $0x1;
	[tilespmem:v39+s6+$0x0] =	vst.idx.msk vm7, v8;
	v5 =	vshll.u32 v56, $0x1;
	v56 =	vshll.u32 v63, $0x1;
	v63 =	vld [tilespmem:s4+$0xFFFFFFD0]  }
0xaa: {  	[tilespmem:v38+s6+$0x0] =	vst.idx.msk vm6, v59;
	v57 =	vshll.u32 v7, $0x1;
	v7 =	vor.u32 v0, v13;
	v13 =	vor.u32 v0, v54;
	v54 =	vld [tilespmem:s4+$0x50]  }
0xab: {  	s19 =	sadd.s32 $0xFFFFFF20, s8;
	[tilespmem:v35+s6+$0x0] =	vst.idx.msk vm4, v17;
	v3 =	vor.u32 v0, v5;
	v50 =	vld.idx.msk [tilespmem:v47+s5+$0x0], $0xffff  }
0xac: {  	s23 =	sadd.s32 $0xFFFFFF80, s8;
	v20 =	vmov s19;
	[tilespmem:$0x1FFD0] =	vst v3;
	v47 =	vld [tilespmem:s4+$0xFFFFFFF0]  }
0xad: {  	v18 =	vmov s23;
	v2 =	vor.u32 $0x1, v60;
	v8 =	vshll.u32 v20, $0x1;
	[tilespmem:v40+s6+$0x0] =	vst.idx.msk vm8, v9;
	v17 =	vld.idx.msk [tilespmem:v51+s5+$0x0], $0xffff  }
0xae: {  	s30 =	sadd.s32 $0xFFFFFFE0, s8;
	v18 =	vshll.u32 v18, $0x1;
	v4 =	vor.u32 v0, v22;
	v20 =	vor.u32 $0x1, v58;
	[tilespmem:v36+s6+$0x0] =	vst.idx.msk vm5, v61;
	v61 =	vld [tilespmem:s4+$0xFFFFFFA0]  }
0xaf: {  	s26 =	sadd.s32 $0xFFFFFFB0, s8;
	v11 =	vor.u32 v0, v8;
	v5 =	vor.u32 v0, v6;
	v8 =	vmov s30;
	[tilespmem:v31+s6+$0x0] =	vst.idx.msk vm2, v14;
	v14 =	vld [tilespmem:s4+$0xFFFFFFB0]  }
0xb0: {  	v3 =	vor.u32 v0, v18;
	v8 =	vshll.u32 v8, $0x1;
	v9 =	vmov s26;
	[tilespmem:v23+s6+$0x0] =	vst.idx.msk vm3, v53;
	v51 =	vld [tilespmem:s4+$0x30]  }
0xb1: {  	s31 =	sadd.s32 $0xFFFFFFF0, s8;
	v6 =	vor.u32 $0x1, v7;
	v25 =	vor.u32 v0, v8;
	v9 =	vshll.u32 v9, $0x1;
	v52 =	vld.idx.msk [tilespmem:v58+s5+$0x0], $0xffff;
	[tilespmem:v33+s6+$0x0] =	vst.idx.msk vm5, v48  }
0xb2: {  	v22 =	vmov s31;
	v23 =	vor.u32 v0, v57;
	v58 =	vld.idx.msk [tilespmem:v2+s5+$0x0], $0xffff;
	[tilespmem:v30+s6+$0x0] =	vst.idx.msk vm4, v19;
	v18 =	vor.u32 v0, v9  }
0xb3: {  	v19 =	vshll.u32 v22, $0x1;
	v30 =	vor.u32 $0x1, v21;
	v2 =	vor.u32 $0x1, v13;
	[tilespmem:v24+s6+$0x0] =	vst.idx.msk vm2, v55;
	v48 =	vld [tilespmem:s4+$0x0]  }
0xb4: {  	v24 =	vor.u32 $0x1, v23;
	[tilespmem:v29+s6+$0x0] =	vst.idx.msk vm1, v12;
	v29 =	vor.u32 $0x1, v25;
	vm3 =	veq.s32 v15, $0x0;
	v55 =	vld [tilespmem:s4+$0x60]  }
0xb5: {  	vm12 =	veq.s32 v63, $0x0;
	v59 =	vld.idx.msk [tilespmem:v20+s5+$0x0], $0xffff;
	v20 =	vor.u32 v0, v56;
	v31 =	vor.u32 v0, v19  }
0xb6: {  	v60 =	vld [tilespmem:s4+$0xFFFFFF80];
	[tilespmem:$0x1FFE0] =	vst v2;
	v19 =	vor.u32 $0x1, v18;
	v15 =	vsel vm3, $0x1, v1;
	v46 =	vmpcnt.ones.xlane vm3  }
0xb7: {  	v45 =	vld [tilespmem:s4+$0xFFFFFFE0];
	v2 =	vmpcnt.ones.xlane vm12;
	v22 =	vor.u32 $0x1, v20;
	v33 =	vor.u32 $0x1, v31;
	[tilespmem:v32+s6+$0x0] =	vst.idx.msk vm0, v50  }
0xb8: {  	vm6 =	veq.s32 v47, $0x0;
	vm2 =	veq.s32 v61, $0x0;
	[tilespmem:v28+s6+$0x0] =	vst.idx.msk vm0, v17;
	vm0 =	veq.s32 v62, $0x0  }
0xb9: {  	v53 =	vmpcnt.ones.xlane vm6;
	vm10 =	veq.s32 v51, $0x0;
	v62 =	vsel vm6, $0x1, v1  }
0xba: {  	[tilespmem:v34+s6+$0x0] =	vst.idx.msk vm1, v58;
	vm1 =	veq.s32 v14, $0x0;
	vm7 =	veq.s32 v48, $0x0;
	v56 =	vmpcnt.ones.xlane vm10  }
0xbb: {  	[tilespmem:v27+s6+$0x0] =	vst.idx.msk vm13, v52;
	vm14 =	veq.s32 v55, $0x0;
	v55 =	vsel vm0, $0xFFFFFFFF, v1;
	vm4 =	veq.s32 v60, $0x0  }
0xbc: {  	v50 =	vld [tilespmem:s4+$0x10];
	v49 =	vmpcnt.ones.xlane vm1;
	vm5 =	veq.s32 v45, $0x0;
	[tilespmem:v26+s6+$0x0] =	vst.idx.msk vm13, v59;
	vm13 =	veq.s32 v54, $0x0  }
0xbd: {  	v59 =	vsel vm1, $0x1, v1;
	v60 =	vsel vm0, $0x1, v1;
	v63 =	vsel vm7, $0x1, v1  }
0xbe: {  	v28 =	vld [tilespmem:s4+$0x20];
	v51 =	vsel vm14, $0x1, v1;
	v54 =	vsel vm2, $0xFFFFFFFF, v1;
	v43 =	vsel vm1, $0xFFFFFFFF, v1  }
0xbf: {  	v52 =	vld [tilespmem:s4+$0x40];
	v9 =	vsel vm14, $0xFFFFFFFF, v1;
	v12 =	vsel vm4, $0x1, v1;
	v44 =	vmpcnt.ones.xlane vm4  }
0xc0: {  	v16 =	vmovc v10;
	v57 =	vmpcnt.ones.xlane vm13;
	v61 =	vsel vm5, $0x1, v1;
	v47 =	vsel vm4, $0xFFFFFFFF, v1  }
0xc1: {  	v8 =	vsel vm13, $0xFFFFFFFF, v1;
	vm8 =	veq.s32 v50, $0x0;
	v16 =	vadd.s32 v47, v16  }
0xc2: {  	(xrf0) =	vadd.scan.msk.s32 $0xffff, v12;
	v12 =	vadd.s32 v10, v44;
	v10 =	vmpcnt.ones.xlane vm2;
	v41 =	vmpcnt.ones.xlane vm8  }
0xc3: {  	vm9 =	veq.s32 v28, $0x0;
	v28 =	vld [tilespmem:s4+$0x70];
	v48 =	vsel vm8, $0x1, v1;
	v44 =	vsel vm5, $0xFFFFFFFF, v1  }
0xc4: {  	(xrf0) =	vadd.scan.msk.s32 $0xffff, v15;
	v14 =	vadd.s32 v12, v46;
	vm11 =	veq.s32 v52, $0x0;
	v45 =	vsel vm9, $0x1, v1  }
0xc5: {  	v15 =	vadd.s32 v14, v10;
	v10 =	vmpcnt.ones.xlane vm0;
	v50 =	vsel vm11, $0x1, v1  }
0xc6: {  	v14 =	vadd.s32 v54, v14;
	v27 =	vadd.s32 v15, v49;
	v49 =	vsel vm10, $0x1, v1  }
0xc7: {  	v15 =	vadd.s32 v43, v15;
	v35 =	vadd.s32 v27, v10;
	v10 =	vmpcnt.ones.xlane vm5  }
0xc8: {  	v27 =	vadd.s32 v55, v27;
	v37 =	vadd.s32 v35, v2;
	vm15 =	veq.s32 v28, $0x0  }
0xc9: {  	v17, _, _ =	vpop (xrf0);
	v28 =	vsel vm2, $0x1, v1;
	v39 =	vadd.s32 v37, v10;
	v10 =	vmpcnt.ones.xlane vm7  }
0xca: {  	v26, _, _ =	vpop (xrf0);
	v58 =	vmpcnt.ones.xlane vm15;
	(xrf0) =	vadd.scan.msk.s32 $0xffff, v28;
	v28 =	vsel vm12, $0x1, v1;
	v52 =	vsel vm15, $0x1, v1  }
0xcb: {  	v37 =	vadd.s32 v44, v37;
	v16 =	vadd.s32 v17, v16;
	v38 =	vadd.s32 v39, v53  }
0xcc: {  	(xrf0) =	vadd.scan.msk.s32 $0xffff, v59;
	v53 =	vsel vm3, $0xFFFFFFFF, v1;
	v59 =	vsel vm7, $0xFFFFFFFF, v1;
	v16 =	vshll.u32 v16, $0x1  }
0xcd: {  	v42 =	vadd.s32 v38, v10;
	v10 =	vmpcnt.ones.xlane vm9;
	(xrf0) =	vadd.scan.msk.s32 $0xffff, v60;
	v12 =	vadd.s32 v53, v12  }
0xce: {  	v32 =	vadd.s32 v42, v41;
	(xrf0) =	vadd.scan.msk.s32 $0xffff, v28;
	v28 =	vsel vm13, $0x1, v1;
	v12 =	vadd.s32 v26, v12  }
0xcf: {  	v36 =	vadd.s32 v32, v10;
	v10 =	vmpcnt.ones.xlane vm11;
	(xrf0) =	vadd.scan.msk.s32 $0xffff, v61;
	v61 =	vsel vm9, $0xFFFFFFFF, v1  }
0xd0: {  	v34 =	vadd.s32 v36, v56;
	(xrf0) =	vadd.scan.msk.s32 $0xffff, v62;
	v56 =	vsel vm12, $0xFFFFFFFF, v1;
	v62 =	vsel vm10, $0xFFFFFFFF, v1  }
0xd1: {  	v32 =	vadd.s32 v61, v32;
	v40 =	vadd.s32 v34, v10;
	v10 =	vmpcnt.ones.xlane vm14  }
0xd2: {  	v36 =	vadd.s32 v62, v36;
	v35 =	vadd.s32 v56, v35;
	v41 =	vadd.s32 v40, v57  }
0xd3: {  	v57, _, _ =	vpop (xrf0);
	(xrf0) =	vadd.scan.msk.s32 $0xffff, v63;
	v8 =	vadd.s32 v8, v40;
	v61 =	vmov v6;
	v6 =	vmov v3  }
0xd4: {  	v46 =	vadd.s32 v41, v10;
	v60, _, _ =	vpop (xrf0);
	(xrf0) =	vadd.scan.msk.s32 $0xffff, v48;
	v48 =	vsel vm8, $0xFFFFFFFF, v1;
	v9 =	vadd.s32 v9, v41  }
0xd5: {  	v26 =	vadd.s32 v57, v14;
	v10 =	vadd.s32 v46, v58;
	v58 =	vsel vm6, $0xFFFFFFFF, v1;
	v63, _, _ =	vpop (xrf0);
	(xrf0) =	vadd.scan.msk.s32 $0xffff, v45  }
0xd6: {  	v45 =	vsel vm11, $0xFFFFFFFF, v1;
	v26 =	vshll.u32 v26, $0x1;
	v2, _, _ =	vpop (xrf0);
	(xrf0) =	vadd.scan.msk.s32 $0xffff, v49;
	v49 =	vsel vm15, $0xFFFFFFFF, v1  }
0xd7: {  	v3 =	vmovc v5;
	v34 =	vadd.s32 v45, v34;
	v39 =	vadd.s32 v58, v39;
	v58 =	vadd.s32 v60, v15  }
0xd8: {  	v60 =	vmov v4;
	v4 =	vmov v11;
	v27 =	vadd.s32 v63, v27;
	v41, _, _ =	vpop (xrf0);
	(xrf0) =	vadd.scan.msk.s32 $0xffff, v50  }
0xd9: {  	v15 =	vld.idx.msk [tilespmem:v11+s5+$0x0], $0xffff;
	v11 =	vor.u32 $0x1, v6;
	v40 =	vadd.s32 v49, v46;
	v49 =	vadd.s32 v48, v42;
	v45, _, _ =	vpop (xrf0);
	(xrf0) =	vadd.scan.msk.s32 $0xffff, v28  }
0xda: {  	v2 =	vadd.s32 v2, v35;
	v27 =	vshll.u32 v27, $0x1;
	v28 =	vadd.s32 v59, v38;
	v50, _, _ =	vpop (xrf0)  }
0xdb: {  	v21 =	vld.idx.msk [tilespmem:v21+s5+$0x0], $0xffff;
	v37 =	vadd.s32 v41, v37;
	v2 =	vshll.u32 v2, $0x1;
	(xrf0) =	vadd.scan.msk.s32 $0xffff, v51;
	v39 =	vadd.s32 v45, v39;
	v51, _, _ =	vpop (xrf0)  }
0xdc: {  	v5 =	vld [tilespmem:$0x1FFD0];
	(xrf0) =	vadd.scan.msk.s32 $0xffff, v52;
	v28 =	vadd.s32 v50, v28;
	v48 =	vshll.u32 v39, $0x1;
	v50 =	vshll.u32 v37, $0x1;
	v52, _, _ =	vpop (xrf0)  }
0xdd: {  	v13 =	vld.idx.msk [tilespmem:v13+s5+$0x0], $0xffff;
	v38 =	vadd.s32 v51, v49;
	v28 =	vshll.u32 v28, $0x1;
	v49 =	vshll.u32 v12, $0x1;
	v54, _, _ =	vpop (xrf0)  }
0xde: {  	v30 =	vld.idx.msk [tilespmem:v30+s5+$0x0], $0xffff;
	v51 =	vshll.u32 v58, $0x1;
	v37 =	vadd.s32 $0x1000, v48;
	v32 =	vadd.s32 v52, v32;
	v55, _, _ =	vpop (xrf0)  }
0xdf: {  	v31 =	vld.idx.msk [tilespmem:v31+s5+$0x0], $0xffff;
	v38 =	vshll.u32 v38, $0x1;
	v41 =	vadd.s32 $0x1000, v28;
	v39 =	vadd.s32 $0x1001, v28;
	v56, _, _ =	vpop (xrf0)  }
0xe0: {  	v62 =	vld.idx.msk [tilespmem:v29+s5+$0x0], $0xffff;
	v28 =	vadd.s32 $0x1001, v27;
	v36 =	vadd.s32 v54, v36;
	v8 =	vadd.s32 v56, v8  }
0xe1: {  	v63 =	vld.idx.msk [tilespmem:v23+s5+$0x0], $0xffff;
	v32 =	vshll.u32 v32, $0x1;
	v42 =	vadd.s32 $0x1000, v38;
	v17, _, _ =	vpop (xrf0);
	v8 =	vshll.u32 v8, $0x1  }
0xe2: {  	v34 =	vadd.s32 v55, v34;
	v56 =	vld.idx.msk [tilespmem:v25+s5+$0x0], $0xffff;
	v9 =	vadd.s32 v17, v9;
	v14, _, _ =	vpop (xrf0);
	v53 =	vadd.s32 $0x1000, v8  }
0xe3: {  	v12 =	vld.idx.msk [tilespmem:v60+s5+$0x0], $0xffff;
	v14 =	vadd.s32 v14, v40;
	v9 =	vshll.u32 v9, $0x1;
	v8 =	vadd.s32 $0x1001, v8  }
0xe4: {  	v34 =	vshll.u32 v34, $0x1;
	v17 =	vld.idx.msk [tilespmem:v5+s5+$0x0], $0xffff;
	v59 =	vshll.u32 v14, $0x1;
	v54 =	vadd.s32 $0x1000, v9  }
0xe5: {  	v55 =	vadd.s32 $0x1000, v34;
	v47 =	vadd.s32 $0x1001, v34;
	v34 =	vld.idx.msk [tilespmem:v33+s5+$0x0], $0xffff;
	v52 =	vadd.s32 $0x1000, v59  }
0xe6: {  	v36 =	vshll.u32 v36, $0x1;
	v40 =	vadd.s32 $0x1001, v38;
	v38 =	vadd.s32 $0x1001, v48;
	v48 =	vld.idx.msk [tilespmem:v24+s5+$0x0], $0xffff  }
0xe7: {  	s7 =	sadd.s32 $0x10, s7;
	v43 =	vadd.s32 $0x1000, v32;
	v44 =	vadd.s32 $0x1001, v32;
	v14 =	vld.idx.msk [tilespmem:v3+s5+$0x0], $0xffff;
	v9 =	vadd.s32 $0x1001, v9;
	[tilespmem:v53+s6+$0x0] =	vst.idx.msk vm13, v56  }
0xe8: {  	p0 =	slt.u32 s7, $0xF0;
	v32 =	vadd.s32 $0x1000, v27;
	v27 =	vadd.s32 $0x1000, v2;
	v35 =	vadd.s32 $0x1001, v59;
	[tilespmem:v8+s6+$0x0] =	vst.idx.msk vm13, v62;
	v8 =	vld [tilespmem:$0x1FFF0]  }
.Ltmp4:
0xe9: {  	v24 =	vadd.s32 $0x1001, v26;
	[tilespmem:v54+s6+$0x0] =	vst.idx.msk vm14, v31;
	v31 =	vadd.s32 $0x1000, v26;
	v26 =	vadd.s32 $0x1001, v2;
	v2 =	vld [tilespmem:$0x1FFE0];
	(pc) =	sbr.rel @p0 .LBB2_7-.Ltmp4, $4  }
0xea: {  	v23 =	vadd.s32 $0x1001, v49;
	v29 =	vadd.s32 $0x1000, v51;
	v46 =	vadd.s32 $0x1000, v36;
	[tilespmem:v52+s6+$0x0] =	vst.idx.msk vm15, v21;
	v21 =	vld.idx.msk [tilespmem:v20+s5+$0x0], $0xffff  }
0xeb: {  	v45 =	vadd.s32 $0x1001, v36;
	v36 =	vadd.s32 $0x1000, v50;
	v25 =	vadd.s32 $0x1000, v49;
	[tilespmem:v55+s6+$0x0] =	vst.idx.msk vm11, v63;
	v20 =	vld.idx.msk [tilespmem:v22+s5+$0x0], $0xffff  }
0xec: {  	s3 =	smov.u32 s8;
	v33 =	vadd.s32 $0x1001, v50;
	vm13 =	vmmov vm12;
	[tilespmem:v9+s6+$0x0] =	vst.idx.msk vm14, v34;
	v34 =	vadd.s32 $0x1001, v51;
	v22 =	vld.idx.msk [tilespmem:v18+s5+$0x0], $0xffff  }
0xed: {  	s8 =	sadd.s32 $0x100, s8;
	s9 =	sadd.s32 $0xFFFFFF50, s3;
	v18 =	vld.idx.msk [tilespmem:v19+s5+$0x0], $0xffff;
	[tilespmem:v35+s6+$0x0] =	vst.idx.msk vm15, v30;
	v35 =	vadd.s32 $0x1000, v16;
	v30 =	vadd.s32 $0x1001, v16;
	v16 =	vshll.u32 v8, $0x1  }
0xee: {  	_ =	sdelay $0x4  }
0xef: {  	[tilespmem:v47+s6+$0x0] =	vst.idx.msk vm11, v48  }
0xf0: {  	v2 =	vld.idx.msk [tilespmem:v2+s5+$0x0], $0xffff;
	[tilespmem:v42+s6+$0x0] =	vst.idx.msk vm8, v13  }
0xf1: {  	v7 =	vld.idx.msk [tilespmem:v7+s5+$0x0], $0xffff;
	[tilespmem:v46+s6+$0x0] =	vst.idx.msk vm10, v21  }
0xf2: {  	v1 =	vor.u32 v0, v16;
	v6 =	vld.idx.msk [tilespmem:v6+s5+$0x0], $0xffff;
	[tilespmem:v45+s6+$0x0] =	vst.idx.msk vm10, v20  }
0xf3: {  	v5 =	vor.u32 $0x1, v5;
	[tilespmem:v43+s6+$0x0] =	vst.idx.msk vm9, v22  }
0xf4: {  	v4 =	vor.u32 $0x1, v4;
	[tilespmem:v44+s6+$0x0] =	vst.idx.msk vm9, v18  }
0xf5: {  	v9 =	vld.idx.msk [tilespmem:v61+s5+$0x0], $0xffff;
	v3 =	vor.u32 $0x1, v3;
	[tilespmem:v40+s6+$0x0] =	vst.idx.msk vm8, v2  }
0xf6: {  	v10 =	vld.idx.msk [tilespmem:v11+s5+$0x0], $0xffff;
	v53 =	vor.u32 $0x1, v60;
	[tilespmem:v41+s6+$0x0] =	vst.idx.msk vm7, v7  }
0xf7: {  	s3 =	sadd.s32 $0xFFFFFF60, s3;
	v8 =	vor.u32 $0x1, v1;
	v1 =	vld.idx.msk [tilespmem:v1+s5+$0x0], $0xffff;
	[tilespmem:v37+s6+$0x0] =	vst.idx.msk vm6, v6  }
0xf8: {  	v54 =	vmov s3;
	v5 =	vld.idx.msk [tilespmem:v5+s5+$0x0], $0xffff;
	[tilespmem:v35+s6+$0x0] =	vst.idx.msk vm4, v17  }
0xf9: {  	v55 =	vshll.u32 v54, $0x1;
	v4 =	vld.idx.msk [tilespmem:v4+s5+$0x0], $0xffff;
	[tilespmem:v25+s6+$0x0] =	vst.idx.msk vm3, v15  }
0xfa: {  	v51 =	vmov s9;
	v57 =	vor.u32 v0, v55;
	v58 =	vld.idx.msk [tilespmem:v3+s5+$0x0], $0xffff;
	[tilespmem:v31+s6+$0x0] =	vst.idx.msk vm2, v14  }
0xfb: {  	v52 =	vshll.u32 v51, $0x1;
	v59 =	vor.u32 $0x1, v57;
	v60 =	vld.idx.msk [tilespmem:v53+s5+$0x0], $0xffff;
	[tilespmem:v29+s6+$0x0] =	vst.idx.msk vm1, v12  }
0xfc: {  	v6 =	vor.u32 v0, v52;
	[tilespmem:v39+s6+$0x0] =	vst.idx.msk vm7, v9  }
0xfd: {  	[tilespmem:v38+s6+$0x0] =	vst.idx.msk vm6, v10;
	v56 =	vor.u32 $0x1, v6  }
0xfe: {  	v50 =	vld.idx.msk [tilespmem:v8+s5+$0x0], $0xffff;
	[tilespmem:v36+s6+$0x0] =	vst.idx.msk vm5, v1  }
0xff: {  	v0 =	vld.idx.msk [tilespmem:v57+s5+$0x0], $0xffff;
	[tilespmem:v30+s6+$0x0] =	vst.idx.msk vm4, v5  }
0x100: {  	v63 =	vld.idx.msk [tilespmem:v59+s5+$0x0], $0xffff;
	[tilespmem:v23+s6+$0x0] =	vst.idx.msk vm3, v4  }
0x101: {  	v61 =	vld.idx.msk [tilespmem:v6+s5+$0x0], $0xffff;
	[tilespmem:v24+s6+$0x0] =	vst.idx.msk vm2, v58  }
0x102: {  	[tilespmem:v34+s6+$0x0] =	vst.idx.msk vm1, v60;
	v62 =	vld.idx.msk [tilespmem:v56+s5+$0x0], $0xffff  }
0x103: {  	[tilespmem:v33+s6+$0x0] =	vst.idx.msk vm5, v50  }
.Ltmp5:
0x104: {  	[tilespmem:v27+s6+$0x0] =	vst.idx.msk vm13, v0;
	(pc) =	sbr.rel .LBB2_12-.Ltmp5, $4  }
0x105: {  	[tilespmem:v26+s6+$0x0] =	vst.idx.msk vm13, v63  }
0x106: {  	[tilespmem:v32+s6+$0x0] =	vst.idx.msk vm0, v61  }
0x107: {  	s31 =	simm.s32 $0x0;
	s4 =	simm.s32 $0x4800;
	[tilespmem:v28+s6+$0x0] =	vst.idx.msk vm0, v62  }
0x108: {  	[hbm4b:s2+s31] =	stream.linear.scatter [tilespmem:s4], [sflag:$0x1], $0x1000, $0x38;
	[tilespmem:$0x5800] =	vst v63  }
.LBB2_9:
0x109: {  	[tilespmem:s4], [sflag:$0x1] =	stream.linear.gather [hbm4b:s2+s4], $0x800, $0x38;
	[tilespmem:$0x5800] =	vst v63  }
0x10a: {  	s5 =	simm.s32 $0x1  }
0x10b: {  	_ =	swait.ge [sflag:s5], $0x800  }
0x10c: {  	[sflag:s5] =	ssyncset.done $0x0  }
0x10d: {  	s2 =	simm.s32 $0x1800;
	[sflag:s5] =	ssyncadd.s32 $0xFFFFF800  }
0x10e: {  	[tilespmem:s2], [sflag:$0x1] =	stream.linear.gather [hbm4b:s3+s4], $0x2000, $0x38;
	[tilespmem:$0x5800] =	vst v63  }
0x10f: {  	_ =	swait.ge [sflag:s5], $0x2000  }
0x110: {  	[sflag:s5] =	ssyncset.done $0x0  }
0x111: {  	s3 =	simm.s32 $0x80;
	[sflag:s5] =	ssyncadd.s32 $0xFFFFE000  }
0x112: {  	v0 =	vld [tilespmem:s3+$0x30]  }
0x113: {  	v1 =	vld [tilespmem:s3+$0x40]  }
0x114: {  	v2 =	vld [tilespmem:s3+$0xFFFFFF80]  }
0x115: {  	v6 =	vld [tilespmem:s3+$0xFFFFFFC0]  }
0x116: {  	v7 =	vld [tilespmem:s3+$0xFFFFFFD0]  }
0x117: {  	v4 =	vld [tilespmem:s3+$0xFFFFFFE0]  }
0x118: {  	v8 =	vld [tilespmem:s3+$0xFFFFFFF0]  }
0x119: {  	v3 =	vld [tilespmem:s3+$0x70]  }
0x11a: {  	v9 =	vld [tilespmem:s3+$0x60]  }
0x11b: {  	v12 =	vld [tilespmem:s3+$0x50];
	v2 =	vshll.u32 v2, $0x1  }
0x11c: {  	v13 =	vld [tilespmem:s3+$0xFFFFFF90];
	v5 =	vor.u32 $0x1, v2  }
0x11d: {  	v16 =	vld [tilespmem:s3+$0xFFFFFFA0]  }
0x11e: {  	v14 =	vld [tilespmem:s3+$0x10]  }
0x11f: {  	v17 =	vld [tilespmem:s3+$0x0];
	v1 =	vshll.u32 v1, $0x1  }
0x120: {  	v20 =	vshll.u32 v0, $0x1;
	v10 =	vld.idx.msk [tilespmem:v2+s2+$0x0], $0xffff;
	v2 =	vshll.u32 v3, $0x1  }
0x121: {  	v15 =	vld.idx.msk [tilespmem:v5+s2+$0x0], $0xffff;
	v3 =	vor.u32 $0x1, v2  }
0x122: {  	v5 =	vshll.u32 v9, $0x1;
	v9 =	vld [tilespmem:s3+$0x20]  }
0x123: {  	v25 =	vld [tilespmem:s3+$0xFFFFFFB0]  }
0x124: {  	v26 =	vld.idx.msk [tilespmem:v1+s2+$0x0], $0xffff;
	v11 =	vor.u32 $0x1, v5  }
0x125: {  	v31 =	vshll.u32 v8, $0x1;
	v33 =	vld.idx.msk [tilespmem:v20+s2+$0x0], $0xffff  }
0x126: {  	v22 =	vor.u32 $0x1, v20;
	v19 =	vld.idx.msk [tilespmem:v3+s2+$0x0], $0xffff;
	v3 =	vlaneseq.u32  }
0x127: {  	v18 =	vld.idx.msk [tilespmem:v2+s2+$0x0], $0xffff;
	v2 =	vor.u32 $0x1, v1;
	v9 =	vshll.u32 v9, $0x1;
	v3 =	vmul.u32 $0x2, v3  }
0x128: {  	s7 =	simm.s32 $0x0;
	v32 =	vshll.u32 v4, $0x1;
	v34 =	vor.u32 $0x1, v31;
	v21 =	vld.idx.msk [tilespmem:v5+s2+$0x0], $0xffff;
	v24 =	vor.u32 $0x1, v9  }
0x129: {  	s5 =	simm.s32 $0x1E0;
	v23 =	vld.idx.msk [tilespmem:v11+s2+$0x0], $0xffff;
	v11 =	vshll.u32 v14, $0x1;
	v5 =	vor.u32 $0x60, v3;
	v27 =	vor.u32 s7, v3  }
0x12a: {  	v31 =	vld.idx.msk [tilespmem:v31+s2+$0x0], $0xffff;
	v28 =	vor.u32 $0x1, v11;
	v4 =	vor.u32 $0x61, v3;
	v20 =	vor.u32 s5, v5  }
0x12b: {  	v17 =	vshll.u32 v17, $0x1;
	v35 =	vld.idx.msk [tilespmem:v22+s2+$0x0], $0xffff;
	v0 =	vor.u32 $0x1, v3;
	v22 =	vor.u32 s5, v4  }
0x12c: {  	s8 =	simm.s32 $0x1C0;
	v25 =	vshll.u32 v25, $0x1;
	v29 =	vld.idx.msk [tilespmem:v2+s2+$0x0], $0xffff;
	v30 =	vor.u32 s7, v0;
	v2 =	vor.u32 $0x40, v3  }
0x12d: {  	s4 =	simm.s32 $0x3800;
	v1 =	vor.u32 $0x41, v3;
	v8 =	vld.idx.msk [tilespmem:v24+s2+$0x0], $0xffff;
	v24 =	vor.u32 s8, v2  }
0x12e: {  	s30 =	simm.s32 $0x180;
	v36 =	vshll.u32 v7, $0x1;
	v34 =	vld.idx.msk [tilespmem:v34+s2+$0x0], $0xffff;
	v7 =	vor.u32 s8, v1;
	[tilespmem:v27+s4+$0x0] =	vst.idx.msk $0xffff, v10  }
0x12f: {  	s9 =	simm.s32 $0x160;
	v16 =	vshll.u32 v16, $0x1;
	v10 =	vld.idx.msk [tilespmem:v28+s2+$0x0], $0xffff;
	v28 =	vor.u32 s30, v3;
	[tilespmem:v20+s4+$0x0] =	vst.idx.msk $0xffff, v18;
	v18 =	vshll.u32 v13, $0x1  }
0x130: {  	v14 =	vld.idx.msk [tilespmem:v17+s2+$0x0], $0xffff;
	[tilespmem:v22+s4+$0x0] =	vst.idx.msk $0xffff, v19;
	v19 =	vor.u32 s9, v5;
	v22 =	vor.u32 $0x1, v18  }
0x131: {  	s31 =	simm.s32 $0xE0;
	v27 =	vld.idx.msk [tilespmem:v25+s2+$0x0], $0xffff;
	[tilespmem:v30+s4+$0x0] =	vst.idx.msk $0xffff, v15;
	v30 =	vshll.u32 v6, $0x1;
	v6 =	vor.u32 s30, v0  }
0x132: {  	v38 =	vor.u32 s31, v5;
	v15 =	vld.idx.msk [tilespmem:v32+s2+$0x0], $0xffff;
	[tilespmem:v24+s4+$0x0] =	vst.idx.msk $0xffff, v21  }
0x133: {  	v37 =	vor.u32 $0x1, v16;
	v40 =	vor.u32 s31, v4;
	v20 =	vld.idx.msk [tilespmem:v36+s2+$0x0], $0xffff;
	[tilespmem:v7+s4+$0x0] =	vst.idx.msk $0xffff, v23  }
0x134: {  	v39 =	vor.u32 $0x1, v25;
	v24 =	vor.u32 s9, v4;
	[tilespmem:v28+s4+$0x0] =	vst.idx.msk $0xffff, v26;
	v26 =	vld.idx.msk [tilespmem:v16+s2+$0x0], $0xffff;
	v16 =	vor.u32 $0x1, v17  }
0x135: {  	v17 =	vor.u32 $0x1, v32;
	v32 =	vor.u32 s7, v5;
	[tilespmem:v19+s4+$0x0] =	vst.idx.msk $0xffff, v33;
	v19 =	vld.idx.msk [tilespmem:v22+s2+$0x0], $0xffff;
	v22 =	vor.u32 $0x1, v36  }
0x136: {  	s14 =	simm.s32 $0xA0;
	v25 =	vor.u32 $0x1, v30;
	v7 =	vor.u32 $0x20, v3;
	v21 =	vld.idx.msk [tilespmem:v30+s2+$0x0], $0xffff;
	[tilespmem:v6+s4+$0x0] =	vst.idx.msk $0xffff, v29;
	v29 =	vor.u32 s7, v2  }
0x137: {  	s6 =	sadd.s32 $0x800, s6;
	s12 =	simm.s32 $0x80;
	[tilespmem:v38+s4+$0x0] =	vst.idx.msk $0xffff, v31;
	v28 =	vor.u32 s14, v7;
	v23 =	vld.idx.msk [tilespmem:v18+s2+$0x0], $0xffff  }
0x138: {  	s11 =	simm.s32 $0x0;
	s15 =	simm.s32 $0x100;
	s10 =	simm.s32 $0x1A0;
	v12 =	vshll.u32 v12, $0x1;
	[tilespmem:v40+s4+$0x0] =	vst.idx.msk $0xffff, v34;
	v18 =	vld.idx.msk [tilespmem:v37+s2+$0x0], $0xffff;
	v30 =	vor.u32 s12, v3  }
0x139: {  	s13 =	simm.s32 $0xC0;
	s8 =	simm.s32 $0x120;
	v13 =	vor.u32 $0x1, v12;
	v31 =	vor.u32 s15, v3;
	s9 =	simm.s32 $0x140;
	v6 =	vor.u32 $0x21, v3;
	[tilespmem:v24+s4+$0x0] =	vst.idx.msk $0xffff, v35;
	v24 =	vld.idx.msk [tilespmem:v39+s2+$0x0], $0xffff  }
.LBB2_10:
0x13a: {  	s11 =	sadd.s32 $0x10, s11;
	[tilespmem:v32+s4+$0x0] =	vst.idx.msk $0xffff, v27;
	v22 =	vld.idx.msk [tilespmem:v22+s2+$0x0], $0xffff;
	v27 =	vor.u32 s13, v2;
	s5 =	sadd.s32 $0x200, s5;
	s3 =	sadd.s32 $0x100, s3  }
0x13b: {  	v32 =	vor.u32 s7, v7;
	s16 =	sadd.s32 $0xFFFFFF40, s5;
	s17 =	sadd.s32 $0xFFFFFFC0, s5;
	p0 =	slt.u32 s11, $0x70;
	[tilespmem:v29+s4+$0x0] =	vst.idx.msk $0xffff, v26;
	v25 =	vld.idx.msk [tilespmem:v25+s2+$0x0], $0xffff  }
0x13c: {  	s18 =	sadd.s32 $0xFFFFFF60, s5;
	v26 =	vor.u32 s7, v6;
	[tilespmem:v28+s4+$0x0] =	vst.idx.msk $0xffff, v20;
	v17 =	vld.idx.msk [tilespmem:v17+s2+$0x0], $0xffff  }
0x13d: {  	v20 =	vor.u32 s7, v4;
	[tilespmem:v30+s4+$0x0] =	vst.idx.msk $0xffff, v21;
	v16 =	vld.idx.msk [tilespmem:v16+s2+$0x0], $0xffff  }
0x13e: {  	v21 =	vor.u32 s14, v6;
	[tilespmem:v31+s4+$0x0] =	vst.idx.msk $0xffff, v14;
	v11 =	vld.idx.msk [tilespmem:v11+s2+$0x0], $0xffff  }
0x13f: {  	v14 =	vor.u32 s8, v7;
	[tilespmem:v27+s4+$0x0] =	vst.idx.msk $0xffff, v15;
	v9 =	vld.idx.msk [tilespmem:v9+s2+$0x0], $0xffff  }
0x140: {  	v15 =	vor.u32 s15, v0;
	[tilespmem:v32+s4+$0x0] =	vst.idx.msk $0xffff, v23;
	v12 =	vld.idx.msk [tilespmem:v12+s2+$0x0], $0xffff  }
0x141: {  	[tilespmem:v26+s4+$0x0] =	vst.idx.msk $0xffff, v19;
	v13 =	vld.idx.msk [tilespmem:v13+s2+$0x0], $0xffff;
	v19 =	vor.u32 s10, v7  }
0x142: {  	v26 =	vor.u32 s7, v1;
	v23 =	vld [tilespmem:s3+$0x30];
	[tilespmem:v20+s4+$0x0] =	vst.idx.msk $0xffff, v24  }
0x143: {  	v20 =	vld [tilespmem:s3+$0x40];
	[tilespmem:v21+s4+$0x0] =	vst.idx.msk $0xffff, v22;
	v21 =	vor.u32 s10, v6;
	s10 =	smov.u32 s17  }
0x144: {  	v22 =	vld [tilespmem:s3+$0xFFFFFF80];
	[tilespmem:v14+s4+$0x0] =	vst.idx.msk $0xffff, v11;
	v11 =	vor.u32 s9, v2  }
0x145: {  	v24 =	vor.u32 s12, v0;
	v14 =	vld [tilespmem:s3+$0xFFFFFFC0];
	[tilespmem:v15+s4+$0x0] =	vst.idx.msk $0xffff, v16  }
0x146: {  	v16 =	vor.u32 s8, v6;
	s8 =	smov.u32 s16;
	v15 =	vld [tilespmem:s3+$0xFFFFFFD0];
	[tilespmem:v19+s4+$0x0] =	vst.idx.msk $0xffff, v12  }
0x147: {  	v12 =	vor.u32 s13, v1;
	v19 =	vld [tilespmem:s3+$0xFFFFFFE0];
	[tilespmem:v26+s4+$0x0] =	vst.idx.msk $0xffff, v18;
	v18 =	vor.u32 s9, v1;
	s9 =	smov.u32 s18  }
0x148: {  	v26 =	vld [tilespmem:s3+$0xFFFFFFF0];
	[tilespmem:v21+s4+$0x0] =	vst.idx.msk $0xffff, v13  }
0x149: {  	v13 =	vshll.u32 v22, $0x1;
	v21 =	vld [tilespmem:s3+$0x70];
	[tilespmem:v11+s4+$0x0] =	vst.idx.msk $0xffff, v9  }
0x14a: {  	v9 =	vor.u32 $0x1, v13;
	v11 =	vld [tilespmem:s3+$0x60];
	[tilespmem:v24+s4+$0x0] =	vst.idx.msk $0xffff, v25  }
0x14b: {  	v22 =	vld [tilespmem:s3+$0x50];
	[tilespmem:v16+s4+$0x0] =	vst.idx.msk $0xffff, v10  }
0x14c: {  	v10 =	vld [tilespmem:s3+$0xFFFFFF90];
	[tilespmem:v12+s4+$0x0] =	vst.idx.msk $0xffff, v17  }
0x14d: {  	v24 =	vld [tilespmem:s3+$0xFFFFFFA0];
	[tilespmem:v18+s4+$0x0] =	vst.idx.msk $0xffff, v8  }
0x14e: {  	s7 =	sadd.s32 $0xFFFFFE20, s5;
	v8 =	vld.idx.msk [tilespmem:v13+s2+$0x0], $0xffff;
	v16 =	vshll.u32 v21, $0x1  }
0x14f: {  	v17 =	vor.u32 s7, v3;
	v9 =	vld.idx.msk [tilespmem:v9+s2+$0x0], $0xffff;
	v11 =	vshll.u32 v11, $0x1;
	v18 =	vor.u32 $0x1, v16  }
0x150: {  	v21 =	vor.u32 s7, v0;
	v25 =	vld [tilespmem:s3+$0x20];
	v12 =	vshll.u32 v22, $0x1;
	v22 =	vor.u32 $0x1, v11  }
0x151: {  	v27 =	vld [tilespmem:s3+$0x10];
	v13 =	vor.u32 $0x1, v12  }
0x152: {  	v28 =	vld [tilespmem:s3+$0x0]  }
0x153: {  	v20 =	vshll.u32 v20, $0x1;
	v29 =	vld.idx.msk [tilespmem:v16+s2+$0x0], $0xffff  }
0x154: {  	[tilespmem:v17+s4+$0x0] =	vst.idx.msk $0xffff, v8;
	v8 =	vshll.u32 v23, $0x1;
	v17 =	vor.u32 $0x1, v20;
	v18 =	vld.idx.msk [tilespmem:v18+s2+$0x0], $0xffff;
	v23 =	vor.u32 s5, v5  }
0x155: {  	v30 =	vor.u32 s5, v4;
	s12 =	sadd.s32 $0xFFFFFFE0, s5;
	[tilespmem:v21+s4+$0x0] =	vst.idx.msk $0xffff, v9;
	v9 =	vshll.u32 v25, $0x1;
	v21 =	vor.u32 $0x1, v8;
	v25 =	vld.idx.msk [tilespmem:v11+s2+$0x0], $0xffff  }
0x156: {  	v32 =	vor.u32 s12, v2;
	v11 =	vshll.u32 v27, $0x1;
	v27 =	vor.u32 $0x1, v9;
	v31 =	vld.idx.msk [tilespmem:v22+s2+$0x0], $0xffff  }
0x157: {  	v35 =	vor.u32 s12, v1;
	v33 =	vld [tilespmem:s3+$0xFFFFFFB0];
	v28 =	vshll.u32 v28, $0x1;
	v34 =	vor.u32 $0x1, v11  }
0x158: {  	s12 =	sadd.s32 $0xFFFFFFA0, s5;
	v26 =	vshll.u32 v26, $0x1;
	v16 =	vor.u32 $0x1, v28;
	v20 =	vld.idx.msk [tilespmem:v20+s2+$0x0], $0xffff  }
0x159: {  	v38 =	vor.u32 s12, v3;
	v19 =	vshll.u32 v19, $0x1;
	v36 =	vor.u32 $0x1, v26;
	v37 =	vld.idx.msk [tilespmem:v17+s2+$0x0], $0xffff;
	[tilespmem:v23+s4+$0x0] =	vst.idx.msk $0xffff, v29  }
0x15a: {  	v39 =	vor.u32 s12, v0;
	s13 =	sadd.s32 $0xFFFFFF80, s5;
	v23 =	vshll.u32 v15, $0x1;
	v17 =	vor.u32 $0x1, v19;
	v29 =	vld.idx.msk [tilespmem:v8+s2+$0x0], $0xffff;
	[tilespmem:v30+s4+$0x0] =	vst.idx.msk $0xffff, v18  }
0x15b: {  	v18 =	vshll.u32 v14, $0x1;
	v22 =	vor.u32 $0x1, v23;
	v30 =	vor.u32 s13, v5;
	v21 =	vld.idx.msk [tilespmem:v21+s2+$0x0], $0xffff;
	[tilespmem:v32+s4+$0x0] =	vst.idx.msk $0xffff, v25  }
0x15c: {  	v32 =	vshll.u32 v33, $0x1;
	v8 =	vld.idx.msk [tilespmem:v27+s2+$0x0], $0xffff;
	v27 =	vor.u32 s13, v4;
	[tilespmem:v35+s4+$0x0] =	vst.idx.msk $0xffff, v31  }
0x15d: {  	v24 =	vshll.u32 v24, $0x1;
	v31 =	vor.u32 $0x1, v32;
	v14 =	vld.idx.msk [tilespmem:v28+s2+$0x0], $0xffff  }
0x15e: {  	v25 =	vor.u32 $0x1, v18;
	v33 =	vor.u32 $0x1, v24;
	v28 =	vshll.u32 v10, $0x1;
	v10 =	vld.idx.msk [tilespmem:v34+s2+$0x0], $0xffff;
	[tilespmem:v38+s4+$0x0] =	vst.idx.msk $0xffff, v20  }
0x15f: {  	v34 =	vor.u32 $0x1, v28;
	v15 =	vld.idx.msk [tilespmem:v19+s2+$0x0], $0xffff;
	[tilespmem:v39+s4+$0x0] =	vst.idx.msk $0xffff, v37  }
0x160: {  	v35 =	vld.idx.msk [tilespmem:v36+s2+$0x0], $0xffff;
	[tilespmem:v30+s4+$0x0] =	vst.idx.msk $0xffff, v29  }
0x161: {  	s12 =	sadd.s32 $0xFFFFFF00, s5;
	v30 =	vld.idx.msk [tilespmem:v26+s2+$0x0], $0xffff;
	[tilespmem:v27+s4+$0x0] =	vst.idx.msk $0xffff, v21  }
0x162: {  	v36 =	vor.u32 s12, v5;
	v20 =	vld.idx.msk [tilespmem:v23+s2+$0x0], $0xffff  }
0x163: {  	v37 =	vor.u32 s12, v4;
	v27 =	vld.idx.msk [tilespmem:v32+s2+$0x0], $0xffff  }
0x164: {  	v21 =	vld.idx.msk [tilespmem:v18+s2+$0x0], $0xffff  }
.Ltmp6:
0x165: {  	v32 =	vor.u32 s7, v5;
	v26 =	vld.idx.msk [tilespmem:v24+s2+$0x0], $0xffff;
	(pc) =	sbr.rel @p0 .LBB2_10-.Ltmp6, $4  }
0x166: {  	s14 =	sadd.s32 $0xFFFFFEC0, s5;
	v29 =	vor.u32 s7, v2;
	v19 =	vld.idx.msk [tilespmem:v34+s2+$0x0], $0xffff  }
0x167: {  	s12 =	sadd.s32 $0xFFFFFEA0, s5;
	v23 =	vld.idx.msk [tilespmem:v28+s2+$0x0], $0xffff;
	v28 =	vor.u32 s14, v7;
	[tilespmem:v36+s4+$0x0] =	vst.idx.msk $0xffff, v30  }
0x168: {  	s15 =	sadd.s32 $0xFFFFFF20, s5;
	v30 =	vor.u32 s12, v3;
	v18 =	vld.idx.msk [tilespmem:v33+s2+$0x0], $0xffff;
	[tilespmem:v37+s4+$0x0] =	vst.idx.msk $0xffff, v35  }
0x169: {  	s13 =	sadd.s32 $0xFFFFFEE0, s5;
	v24 =	vld.idx.msk [tilespmem:v31+s2+$0x0], $0xffff;
	v31 =	vor.u32 s15, v3  }
0x16a: {  	_ =	sdelay $0x3  }
0x16b: {  	[tilespmem:v32+s4+$0x0] =	vst.idx.msk $0xffff, v27;
	v3 =	vor.u32 s13, v2  }
0x16c: {  	v5 =	vld.idx.msk [tilespmem:v22+s2+$0x0], $0xffff;
	v50 =	vor.u32 s7, v7;
	[tilespmem:v29+s4+$0x0] =	vst.idx.msk $0xffff, v26  }
0x16d: {  	v25 =	vld.idx.msk [tilespmem:v25+s2+$0x0], $0xffff;
	[tilespmem:v28+s4+$0x0] =	vst.idx.msk $0xffff, v20;
	v4 =	vor.u32 s7, v4  }
0x16e: {  	[tilespmem:v30+s4+$0x0] =	vst.idx.msk $0xffff, v21;
	v16 =	vld.idx.msk [tilespmem:v16+s2+$0x0], $0xffff;
	v52 =	vor.u32 s14, v6  }
0x16f: {  	[tilespmem:v31+s4+$0x0] =	vst.idx.msk $0xffff, v14;
	v11 =	vld.idx.msk [tilespmem:v11+s2+$0x0], $0xffff;
	v53 =	vor.u32 s8, v7  }
0x170: {  	v17 =	vld.idx.msk [tilespmem:v17+s2+$0x0], $0xffff;
	v54 =	vor.u32 s15, v0;
	[tilespmem:v3+s4+$0x0] =	vst.idx.msk $0xffff, v15  }
0x171: {  	v12 =	vld.idx.msk [tilespmem:v12+s2+$0x0], $0xffff;
	v55 =	vor.u32 s10, v7;
	[tilespmem:v50+s4+$0x0] =	vst.idx.msk $0xffff, v23  }
0x172: {  	v56 =	vor.u32 s7, v1;
	[tilespmem:v4+s4+$0x0] =	vst.idx.msk $0xffff, v24  }
0x173: {  	v9 =	vld.idx.msk [tilespmem:v9+s2+$0x0], $0xffff;
	v59 =	vor.u32 s9, v2;
	[tilespmem:v52+s4+$0x0] =	vst.idx.msk $0xffff, v5  }
0x174: {  	v60 =	vor.u32 s12, v0;
	[tilespmem:v53+s4+$0x0] =	vst.idx.msk $0xffff, v11  }
0x175: {  	v51 =	vor.u32 s7, v6;
	[tilespmem:v54+s4+$0x0] =	vst.idx.msk $0xffff, v16  }
0x176: {  	v57 =	vld.idx.msk [tilespmem:v13+s2+$0x0], $0xffff;
	v58 =	vor.u32 s10, v6;
	[tilespmem:v55+s4+$0x0] =	vst.idx.msk $0xffff, v12  }
0x177: {  	v61 =	vor.u32 s8, v6;
	[tilespmem:v56+s4+$0x0] =	vst.idx.msk $0xffff, v18  }
0x178: {  	v62 =	vor.u32 s13, v1;
	[tilespmem:v59+s4+$0x0] =	vst.idx.msk $0xffff, v9  }
0x179: {  	v63 =	vor.u32 s9, v1;
	[tilespmem:v60+s4+$0x0] =	vst.idx.msk $0xffff, v25  }
0x17a: {  	[tilespmem:v51+s4+$0x0] =	vst.idx.msk $0xffff, v19  }
0x17b: {  	[tilespmem:v58+s4+$0x0] =	vst.idx.msk $0xffff, v57  }
0x17c: {  	[tilespmem:v61+s4+$0x0] =	vst.idx.msk $0xffff, v10  }
0x17d: {  	[tilespmem:v62+s4+$0x0] =	vst.idx.msk $0xffff, v17  }
0x17e: {  	s31 =	simm.s32 $0x0;
	s3 =	simm.s32 $0x3800;
	[tilespmem:v63+s4+$0x0] =	vst.idx.msk $0xffff, v8  }
0x17f: {  	[hbm4b:s6+s31] =	stream.linear.scatter [tilespmem:s3], [sflag:$0x1], $0x1000, $0x38;
	[tilespmem:$0x5800] =	vst v63  }
.LBB2_12:
0x180: {  	s2 =	simm.s32 $0x1  }
0x181: {  	_ =	swait.ge [sflag:s2], $0x1000  }
0x182: {  	[sflag:s2] =	ssyncset.done $0x0  }
0x183: {  	[sflag:s2] =	ssyncadd.s32 $0xFFFFF000  }
.LBB2_13:
0x184: {  	_ =	sfence.sel $0x180000  }
0x185: {  	[bflag:$0x0] =	sbarrier.arrive $0xFFFF  }
0x186: {  	p0 =	sne.s32 s1, $0x0;
	_ =	strace $0x90000047  }
0x187: {  	s0 =	sadd.s32 @!p0 $0x100000, s0;
	[bflag:$0x2] =	sbarrier.arrive $0xFFFF  }
0x188: {  	[sflag:s0] =	ssyncadd.tile.s32 @!p0 $0x1;
	_ =	shalt  }
.Lfunc_end2:
_tile_overlayer_lowered:
.L_overlay_start_2:
0x189: {  	(tag) =	ssettag $0x2  }
0x18a: {  	s0 =	rddreg [dreg:$0x0];
	s2 =	stileid.u32  }
0x18b: {  	s1 =	rddreg [dreg:$0x1];
	p0 =	sne.s32 s2, $0x0  }
0x18c: {  	s3 =	rddreg [dreg:$0x2];
	[bflag:$0x3] =	sbarrier.arrive $0xFFFF;
	s2 =	simm.s32 @!p0 $0x1C01  }
0x18d: {  	[timem:s3], [sflag:s2] =	dma.local @!p0 [hbm:s0], s1  }
0x18e: {  	s0 =	simm.s32 @!p0 $0x1  }
0x18f: {  	_ =	swait.ge @!p0 [sflag:s0], s1  }
0x190: {  	s1 =	ssub.s32 @!p0 $0x0, s1;
	[sflag:s0] =	ssyncset.done @!p0 $0x0  }
0x191: {  	[sflag:s0] =	ssyncadd.s32 @!p0 s1  }
0x192: {  	[bflag:$0x3] =	sbarrier.arrive $0xFFFF  }
0x193: {  	_ =	shalt  }

</sc_bundles>
